<compile_context>
chip_gen: v7x
topology: tpu7x:2x2x1
jax: 0.10.2.dev20260603
libtpu: 0.0.44.dev20260713+nightly
codegen_flags: <defaults>
</compile_context>

<pallas_src>
import numpy as np

import jax
import jax.numpy as jnp
from jax import lax
from jax.experimental import pallas as pl
from jax.experimental.pallas import tpu as pltpu
from jax.experimental.pallas import tpu_sc as plsc

NUM_CLASSES = 80
MAX_BOXES = 20
SCORE_THR = 0.6
IOU_THR = 0.5

_G0, _G1 = 19, 38
_N0 = _G0 * _G0 * 3
_N1 = _G1 * _G1 * 3
_N = _N0 + _N1
_NP = 43 * 128
_NCHUNK = _NP // 16
_NPC = _NP + 32

_ANCHORS = np.array([[10.0, 14.0], [23.0, 27.0], [37.0, 58.0],
                     [81.0, 82.0], [135.0, 169.0], [344.0, 319.0]],
                    dtype=np.float32)
_MASK0 = [3, 4, 5]
_MASK1 = [1, 2, 3]

_INPUT = np.float32(_G0 * 32)
_IMG = np.array([720.0, 1280.0], dtype=np.float32)
_SC_ = np.float32(min(np.float32(_INPUT / _IMG[0]), np.float32(_INPUT / _IMG[1])))
_NEW = np.round(_IMG * _SC_).astype(np.float32)
_OFF = ((_INPUT - _NEW) / np.float32(2.0) / _INPUT).astype(np.float32)
_SCALE = (_INPUT / _NEW).astype(np.float32)


def _make_consts():
    gx = np.zeros(_NP, np.float32)
    gy = np.zeros(_NP, np.float32)
    gd = np.ones(_NP, np.float32)
    aw = np.zeros(_NP, np.float32)
    ah = np.zeros(_NP, np.float32)
    n = np.arange(_N0)
    cell, a = n // 3, n % 3
    gx[:_N0] = (cell % _G0).astype(np.float32)
    gy[:_N0] = (cell // _G0).astype(np.float32)
    gd[:_N0] = float(_G0)
    anc = _ANCHORS[_MASK0][a]
    aw[:_N0] = anc[:, 0]
    ah[:_N0] = anc[:, 1]
    n = np.arange(_N1)
    cell, a = n // 3, n % 3
    gx[_N0:_N] = (cell % _G1).astype(np.float32)
    gy[_N0:_N] = (cell // _G1).astype(np.float32)
    gd[_N0:_N] = float(_G1)
    anc = _ANCHORS[_MASK1][a]
    aw[_N0:_N] = anc[:, 0]
    ah[_N0:_N] = anc[:, 1]
    return np.stack([gx, gy, gd, aw, ah], axis=0)


_CONSTS = _make_consts()


def _decode_body(t_ref, c_ref, s_out, b_out):
    def sig(x):
        return 1.0 / (1.0 + jnp.exp(-x))

    tx = t_ref[0:1, :]
    ty = t_ref[1:2, :]
    tw = t_ref[2:3, :]
    th = t_ref[3:4, :]
    tc = t_ref[4:5, :]
    tp = t_ref[5:85, :]
    gx = c_ref[0:1, :]
    gy = c_ref[1:2, :]
    gd = c_ref[2:3, :]
    aw = c_ref[3:4, :]
    ah = c_ref[4:5, :]

    bx = (sig(tx) + gx) / gd
    by = (sig(ty) + gy) / gd
    bw = jnp.exp(tw) * aw / _INPUT
    bh = jnp.exp(th) * ah / _INPUT
    yy = (by - _OFF[0]) * _SCALE[0]
    xx = (bx - _OFF[1]) * _SCALE[1]
    hh = bh * _SCALE[0]
    ww = bw * _SCALE[1]
    y1 = (yy - hh / 2.0) * _IMG[0]
    x1 = (xx - ww / 2.0) * _IMG[1]
    y2 = (yy + hh / 2.0) * _IMG[0]
    x2 = (xx + ww / 2.0) * _IMG[1]
    area = (y2 - y1) * (x2 - x1)

    s = sig(tc) * sig(tp)
    s = jnp.where(s >= SCORE_THR, s, 0.0)

    s_out[:, :] = s
    b_out[0:1, :] = y1
    b_out[1:2, :] = x1
    b_out[2:3, :] = y2
    b_out[3:4, :] = x2
    b_out[4:5, :] = area


def _sc_nms_body(s_hbm, b_hbm, out_hbm,
                 s_v, y1_v, x1_v, y2_v, x2_v, ar_v, cs_v, ci_v, sel_v,
                 shf_v, shi_v, cy1_v, cx1_v, cy2_v, cx2_v, car_v):
    wid = lax.axis_index("s") * 2 + lax.axis_index("c")
    lane = jnp.arange(16, dtype=jnp.int32)

    lane15 = jnp.full((16,), 15, jnp.int32)

    def bmax(x):
        shf_v[pl.ds(0, 16)] = plsc.cummax(x)
        return plsc.load_gather(shf_v, [lane15])

    def bmin(x):
        shi_v[pl.ds(0, 16)] = plsc.cummax(-x)
        return -plsc.load_gather(shi_v, [lane15])
    zero16 = jnp.zeros((16,), jnp.float32)
    izero16 = jnp.zeros((16,), jnp.int32)
    bv0 = jnp.full((16,), -1.0, jnp.float32)
    bi0 = jnp.zeros((16,), jnp.int32)

    pltpu.sync_copy(b_hbm.at[pl.ds(0 * _NP, _NP)], y1_v)
    pltpu.sync_copy(b_hbm.at[pl.ds(1 * _NP, _NP)], x1_v)
    pltpu.sync_copy(b_hbm.at[pl.ds(2 * _NP, _NP)], y2_v)
    pltpu.sync_copy(b_hbm.at[pl.ds(3 * _NP, _NP)], x2_v)
    pltpu.sync_copy(b_hbm.at[pl.ds(4 * _NP, _NP)], ar_v)

    def do_class(c):
        pltpu.sync_copy(s_hbm.at[pl.ds(c * _NP, _NP)], s_v)
        for k in range(10):
            sel_v[pl.ds(k * 16, 16)] = zero16

        @pl.loop(0, _NCHUNK, init_carry=jnp.int32(0), unroll=4)
        def comp(k, cnt):
            v = s_v[pl.ds(k * 16, 16)]
            msk = v > 0.0
            plsc.store_compressed(cs_v.at[pl.ds(cnt, 16)], v, mask=msk)
            plsc.store_compressed(ci_v.at[pl.ds(cnt, 16)], k * 16 + lane,
                                  mask=msk)
            n = plsc.all_reduce_population_count(msk)
            return cnt + n[0]

        cnt = comp
        plsc.store_scatter(cs_v, [cnt + lane], zero16)
        plsc.store_scatter(cs_v, [cnt + 16 + lane], zero16)
        plsc.store_scatter(ci_v, [cnt + lane], izero16)
        plsc.store_scatter(ci_v, [cnt + 16 + lane], izero16)
        nb = (cnt + 15) // 16

        @pl.loop(0, nb, init_carry=(bv0, bi0), unroll=1)
        def amx(k, carry):
            bv, bi = carry
            sl = pl.ds(k * 16, 16)
            gi = ci_v[sl]
            cy1_v[sl] = plsc.load_gather(y1_v, [gi])
            cx1_v[sl] = plsc.load_gather(x1_v, [gi])
            cy2_v[sl] = plsc.load_gather(y2_v, [gi])
            cx2_v[sl] = plsc.load_gather(x2_v, [gi])
            car_v[sl] = plsc.load_gather(ar_v, [gi])
            v = cs_v[sl]
            gt = v > bv
            return jnp.where(gt, v, bv), jnp.where(gt, k, bi)

        bv, bi = amx

        @pl.loop(0, MAX_BOXES, init_carry=(bv, bi), unroll=1)
        def rnd(i, carry):
            bv, bi = carry
            mx_v = bmax(bv)
            idxv = bi * 16 + lane
            cand_v = bmin(jnp.where(bv == mx_v, idxv, jnp.int32(1 << 30)))
            keep_v = mx_v > 0.0
            ky1 = plsc.load_gather(cy1_v, [cand_v])
            kx1 = plsc.load_gather(cx1_v, [cand_v])
            ky2 = plsc.load_gather(cy2_v, [cand_v])
            kx2 = plsc.load_gather(cx2_v, [cand_v])
            kar = plsc.load_gather(car_v, [cand_v])
            val = jnp.where(lane == 0, mx_v,
                            jnp.where(lane == 1, ky1,
                                      jnp.where(lane == 2, kx1,
                                                jnp.where(lane == 3, ky2, kx2))))
            selpos = jnp.where((lane < 5) & keep_v, lane * 32 + i,
                               jnp.int32(176) + lane)
            plsc.store_scatter(sel_v, [selpos], val)

            @pl.loop(0, nb, init_carry=(bv0, bi0), unroll=1)
            def sup(k, carry2):
                nv, ni = carry2
                sl = pl.ds(k * 16, 16)
                sv = cs_v[sl]
                vy1 = cy1_v[sl]
                vx1 = cx1_v[sl]
                vy2 = cy2_v[sl]
                vx2 = cx2_v[sl]
                var_ = car_v[sl]
                iy1 = jnp.maximum(ky1, vy1)
                ix1 = jnp.maximum(kx1, vx1)
                iy2 = jnp.minimum(ky2, vy2)
                ix2 = jnp.minimum(kx2, vx2)
                inter = jnp.maximum(iy2 - iy1, 0.0) * jnp.maximum(ix2 - ix1, 0.0)
                iou = inter / (kar + var_ - inter + 1e-9)
                pos = k * 16 + lane
                supm = (iou > IOU_THR) | (pos == cand_v)
                s_upd = jnp.where(supm & keep_v, 0.0, sv)
                cs_v[sl] = s_upd
                gt = s_upd > nv
                return jnp.where(gt, s_upd, nv), jnp.where(gt, k, ni)

            return sup

        pltpu.sync_copy(sel_v.at[pl.ds(0, 160)], out_hbm.at[pl.ds(c * 160, 160)])

    @pl.loop(0, 3, unroll=1)
    def rep_body(rep):
        c = wid + rep * 32

        @pl.when(c < NUM_CLASSES)
        def _():
            do_class(c)


def kernel(feat0, feat1, image_shape_t):
    del image_shape_t
    f0 = feat0.reshape(_N0, NUM_CLASSES + 5)
    f1 = feat1.reshape(_N1, NUM_CLASSES + 5)
    t = jnp.concatenate([f0, f1], axis=0)
    t = jnp.pad(t, ((0, _NP - _N), (0, 0)), constant_values=-1e9).T
    consts = jnp.asarray(_CONSTS)

    s_mat, b_mat = pl.pallas_call(
        _decode_body,
        out_shape=[jax.ShapeDtypeStruct((NUM_CLASSES, _NP), jnp.float32),
                   jax.ShapeDtypeStruct((5, _NP), jnp.float32)],
    )(t, consts)

    mesh = plsc.VectorSubcoreMesh(core_axis_name="c", subcore_axis_name="s",
                                  num_cores=2, num_subcores=16)
    out = pl.kernel(
        _sc_nms_body,
        out_type=jax.ShapeDtypeStruct((NUM_CLASSES * 160,), jnp.float32),
        mesh=mesh,
        compiler_params=pltpu.CompilerParams(needs_layout_passes=False),
        scratch_types=[
            pltpu.VMEM((_NP,), jnp.float32),
            pltpu.VMEM((_NP,), jnp.float32),
            pltpu.VMEM((_NP,), jnp.float32),
            pltpu.VMEM((_NP,), jnp.float32),
            pltpu.VMEM((_NP,), jnp.float32),
            pltpu.VMEM((_NP,), jnp.float32),
            pltpu.VMEM((_NPC,), jnp.float32),
            pltpu.VMEM((_NPC,), jnp.int32),
            pltpu.VMEM((192,), jnp.float32),
            pltpu.VMEM((16,), jnp.float32),
            pltpu.VMEM((16,), jnp.int32),
            pltpu.VMEM((_NPC,), jnp.float32),
            pltpu.VMEM((_NPC,), jnp.float32),
            pltpu.VMEM((_NPC,), jnp.float32),
            pltpu.VMEM((_NPC,), jnp.float32),
            pltpu.VMEM((_NPC,), jnp.float32),
        ],
    )(s_mat.reshape(-1), b_mat.reshape(-1))

    sel = out.reshape(NUM_CLASSES, 5, 32)[:, :, :MAX_BOXES]
    boxes_ = jnp.stack([sel[:, 1], sel[:, 2], sel[:, 3], sel[:, 4]],
                       axis=-1).reshape(-1, 4)
    scores_ = sel[:, 0].reshape(-1)
    classes_ = jnp.repeat(jnp.arange(NUM_CLASSES, dtype=jnp.int32), MAX_BOXES)
    return boxes_, scores_, classes_

# --- scband reference (transcript-rebuilt; emitter-appended) ---
"""Pipeline reference for scband-my-dense-layer-78185584656481 (READ-ONLY COPY).

The authoritative reference and input builder live on the scoring server;
editing this copy changes nothing except your own understanding.
"""

import jax, jax.numpy as jnp
import numpy as np

ANCHORS = jnp.array([[10.0,14.0],[23.0,27.0],[37.0,58.0],[81.0,82.0],[135.0,169.0],[344.0,319.0]], dtype=jnp.float32)
ANCHOR_MASKS = ([3,4,5],[1,2,3])
NUM_CLASSES = 80
IMAGE_SHAPE = jnp.array([720.0, 1280.0], dtype=jnp.float32)
MAX_BOXES = 20
SCORE_THR = 0.6
IOU_THR = 0.5


def yolo_head(feats, anchors_sub, num_classes, input_shape):
    na = anchors_sub.shape[0]
    gh, gw = feats.shape[1], feats.shape[2]
    grid_y = jnp.tile(jnp.arange(gh).reshape(-1, 1, 1, 1), (1, gw, 1, 1))
    grid_x = jnp.tile(jnp.arange(gw).reshape(1, -1, 1, 1), (gh, 1, 1, 1))
    grid = jnp.concatenate([grid_x, grid_y], axis=-1).astype(feats.dtype)
    f = feats.reshape(-1, gh, gw, na, num_classes + 5)
    grid_shape = jnp.array([gh, gw], dtype=feats.dtype)
    box_xy = (jax.nn.sigmoid(f[..., :2]) + grid) / grid_shape[::-1]
    box_wh = jnp.exp(f[..., 2:4]) * anchors_sub.reshape(1, 1, 1, na, 2) / input_shape[::-1]
    conf = jax.nn.sigmoid(f[..., 4:5])
    probs = jax.nn.sigmoid(f[..., 5:])
    return box_xy, box_wh, conf, probs


def yolo_correct_boxes(box_xy, box_wh, input_shape, image_shape):
    box_yx = box_xy[..., ::-1]
    box_hw = box_wh[..., ::-1]
    new_shape = jnp.round(image_shape * jnp.min(input_shape / image_shape))
    offset = (input_shape - new_shape) / 2.0 / input_shape
    scale = input_shape / new_shape
    box_yx = (box_yx - offset) * scale
    box_hw = box_hw * scale
    mins = box_yx - box_hw / 2.0
    maxes = box_yx + box_hw / 2.0
    boxes = jnp.concatenate([mins[..., 0:1], mins[..., 1:2], maxes[..., 0:1], maxes[..., 1:2]], axis=-1)
    boxes = boxes * jnp.concatenate([image_shape, image_shape])
    return boxes


def box_iou_one(box, boxes):
    y1 = jnp.maximum(box[0], boxes[:, 0])
    x1 = jnp.maximum(box[1], boxes[:, 1])
    y2 = jnp.minimum(box[2], boxes[:, 2])
    x2 = jnp.minimum(box[3], boxes[:, 3])
    inter = jnp.clip(y2 - y1, 0.0, None) * jnp.clip(x2 - x1, 0.0, None)
    area1 = (box[2] - box[0]) * (box[3] - box[1])
    area2 = (boxes[:, 2] - boxes[:, 0]) * (boxes[:, 3] - boxes[:, 1])
    return inter / (area1 + area2 - inter + 1e-9)


def nms_per_class(boxes, scores):
    n = boxes.shape[0]
    idxs = jnp.arange(n)
    sel_b = jnp.zeros((MAX_BOXES, 4), dtype=boxes.dtype)
    sel_s = jnp.zeros((MAX_BOXES,), dtype=scores.dtype)
    for i in range(MAX_BOXES):
        j = jnp.argmax(scores)
        s = scores[j]
        b = boxes[j]
        keep = s > 0.0
        sel_b = sel_b.at[i].set(jnp.where(keep, b, jnp.zeros_like(b)))
        sel_s = sel_s.at[i].set(jnp.where(keep, s, 0.0))
        iou = box_iou_one(b, boxes)
        suppress = (iou > IOU_THR) | (idxs == j)
        scores = jnp.where(keep & suppress, 0.0, scores)
    return sel_b, sel_s


def decode_all(feat0, feat1):
    input_shape = jnp.array([feat0.shape[1] * 32, feat0.shape[2] * 32], dtype=jnp.float32)
    bs, ss = [], []
    for feat, m in ((feat0, ANCHOR_MASKS[0]), (feat1, ANCHOR_MASKS[1])):
        a = ANCHORS[jnp.array(m)]
        bxy, bwh, conf, probs = yolo_head(feat, a, NUM_CLASSES, input_shape)
        b = yolo_correct_boxes(bxy, bwh, input_shape, IMAGE_SHAPE).reshape(-1, 4)
        s = (conf * probs).reshape(-1, NUM_CLASSES)
        bs.append(b)
        ss.append(s)
    return jnp.concatenate(bs, axis=0), jnp.concatenate(ss, axis=0)


def setup_inputs(seed: int = 0):
    key = jax.random.key(seed)
    k0, k1 = jax.random.split(key)
    feat0 = jax.random.normal(k0, (1, 19, 19, 255), dtype=jnp.float32)
    feat1 = jax.random.normal(k1, (1, 38, 38, 255), dtype=jnp.float32)
    image_shape_t = jnp.array([720.0, 1280.0], dtype=jnp.float32)
    return {"feat0": feat0, "feat1": feat1, "image_shape_t": image_shape_t}


def reference(feat0, feat1, image_shape_t):
    # image_shape_t mirrors the eager-mode extra input yolo_outputs[-1]; the original
    # layer reshapes it but actually uses self.image_shape, so it is closed over here.
    boxes, scores = decode_all(feat0, feat1)
    scores = jnp.where(scores >= SCORE_THR, scores, 0.0)
    sel_b, sel_s = jax.vmap(lambda s: nms_per_class(boxes, s))(scores.T)
    boxes_ = sel_b.reshape(-1, 4)
    scores_ = sel_s.reshape(-1)
    classes_ = jnp.repeat(jnp.arange(NUM_CLASSES, dtype=jnp.int32), MAX_BOXES)
    return boxes_, scores_, classes_

if __name__ == "__main__":
    import jax
    _d = setup_inputs()
    print(jax.jit(kernel)(*tuple(_d.values())))

</pallas_src>

<mosaic_0001>
#map = affine_map<(d0, d1) -> (0)>
module attributes {stable_mosaic.version = 14 : i64} {
  func.func @_sc_nms_body(%arg0: i32, %arg1: i32, %arg2: memref<440320xf32, #tpu.memory_space<hbm>>, %arg3: memref<27520xf32, #tpu.memory_space<hbm>>, %arg4: memref<12800xf32, #tpu.memory_space<hbm>>, %arg5: memref<5504xf32, #tpu.memory_space<vmem>>, %arg6: memref<5504xf32, #tpu.memory_space<vmem>>, %arg7: memref<5504xf32, #tpu.memory_space<vmem>>, %arg8: memref<5504xf32, #tpu.memory_space<vmem>>, %arg9: memref<5504xf32, #tpu.memory_space<vmem>>, %arg10: memref<5504xf32, #tpu.memory_space<vmem>>, %arg11: memref<5536xf32, #tpu.memory_space<vmem>>, %arg12: memref<5536xi32, #tpu.memory_space<vmem>>, %arg13: memref<192xf32, #tpu.memory_space<vmem>>, %arg14: memref<16xf32, #tpu.memory_space<vmem>>, %arg15: memref<16xi32, #tpu.memory_space<vmem>>, %arg16: memref<5536xf32, #tpu.memory_space<vmem>>, %arg17: memref<5536xf32, #tpu.memory_space<vmem>>, %arg18: memref<5536xf32, #tpu.memory_space<vmem>>, %arg19: memref<5536xf32, #tpu.memory_space<vmem>>, %arg20: memref<5536xf32, #tpu.memory_space<vmem>>) attributes {dimension_semantics = [#tpu.dimension_semantics<core_parallel>, #tpu.dimension_semantics<subcore_parallel>], iteration_bounds = array<i64: 2, 16>, scalar_prefetch = 0 : i64, scratch_operands = 16 : i64, tpu.core_type = #tpu.core_type<sc_vector_subcore>, window_params = [{transform_indices = #map}, {transform_indices = #map}, {transform_indices = #map}]} {
    %mul3A = arith.constant 2 : i32
    %mul3A_0 = arith.muli %arg1, %mul3A : i32
    %add3A = arith.addi %mul3A_0, %arg0 : i32
    %iota3A = tpu.iota {dimensions = array<i32: 0>} : vector<16xi32>
    %broadcast_in_dim3A = arith.constant 15 : i32
    %broadcast_in_dim3A_1 = vector.broadcast %broadcast_in_dim3A : i32 to vector<16xi32>
    %broadcast_in_dim3A_2 = arith.constant 0.000000e+00 : f32
    %broadcast_in_dim3A_3 = vector.broadcast %broadcast_in_dim3A_2 : f32 to vector<16xf32>
    %broadcast_in_dim3A_4 = arith.constant 0 : i32
    %broadcast_in_dim3A_5 = vector.broadcast %broadcast_in_dim3A_4 : i32 to vector<16xi32>
    %broadcast_in_dim3A_6 = arith.constant -1.000000e+00 : f32
    %broadcast_in_dim3A_7 = vector.broadcast %broadcast_in_dim3A_6 : f32 to vector<16xf32>
    %broadcast_in_dim3A_8 = arith.constant 0 : i32
    %broadcast_in_dim3A_9 = vector.broadcast %broadcast_in_dim3A_8 : i32 to vector<16xi32>
    "tpu.region"() ({
      %run_scoped3A = tpu.sem_alloc : memref<!tpu.dma_semaphore, #tpu.memory_space<semaphore_mem>>
      %dma_start3A = arith.constant 0 : i32
      %dma_start3A_14 = tpu.memref_slice %arg3[%dma_start3A] : memref<27520xf32, #tpu.memory_space<hbm>> -> memref<5504xf32, #tpu.memory_space<hbm>>
      %dma_start3A_15 = arith.constant 0 : i32
      %dma_start3A_16 = tpu.memref_slice %arg3[%dma_start3A_15] : memref<27520xf32, #tpu.memory_space<hbm>> -> memref<5504xf32, #tpu.memory_space<hbm>>
      tpu.enqueue_dma source(%dma_start3A_16 : memref<5504xf32, #tpu.memory_space<hbm>>) target(%arg6 : memref<5504xf32, #tpu.memory_space<vmem>>) target_semaphore(%run_scoped3A : memref<!tpu.dma_semaphore, #tpu.memory_space<semaphore_mem>>)
      %dma_wait3A = arith.constant 0 : i32
      %dma_wait3A_17 = tpu.memref_slice %arg3[%dma_wait3A] : memref<27520xf32, #tpu.memory_space<hbm>> -> memref<5504xf32, #tpu.memory_space<hbm>>
      %dma_wait3A_18 = arith.constant 0 : i32
      %dma_wait3A_19 = tpu.memref_slice %arg3[%dma_wait3A_18] : memref<27520xf32, #tpu.memory_space<hbm>> -> memref<5504xf32, #tpu.memory_space<hbm>>
      tpu.wait_dma2 semaphore(%run_scoped3A : memref<!tpu.dma_semaphore, #tpu.memory_space<semaphore_mem>>) src(%dma_wait3A_19 : memref<5504xf32, #tpu.memory_space<hbm>>) dst(%arg6 : memref<5504xf32, #tpu.memory_space<vmem>>)
      tpu.yield
    }) : () -> ()
    "tpu.region"() ({
      %run_scoped3A = tpu.sem_alloc : memref<!tpu.dma_semaphore, #tpu.memory_space<semaphore_mem>>
      %dma_start3A = arith.constant 5504 : i32
      %dma_start3A_14 = tpu.memref_slice %arg3[%dma_start3A] : memref<27520xf32, #tpu.memory_space<hbm>> -> memref<5504xf32, #tpu.memory_space<hbm>>
      %dma_start3A_15 = arith.constant 5504 : i32
      %dma_start3A_16 = tpu.memref_slice %arg3[%dma_start3A_15] : memref<27520xf32, #tpu.memory_space<hbm>> -> memref<5504xf32, #tpu.memory_space<hbm>>
      tpu.enqueue_dma source(%dma_start3A_16 : memref<5504xf32, #tpu.memory_space<hbm>>) target(%arg7 : memref<5504xf32, #tpu.memory_space<vmem>>) target_semaphore(%run_scoped3A : memref<!tpu.dma_semaphore, #tpu.memory_space<semaphore_mem>>)
      %dma_wait3A = arith.constant 5504 : i32
      %dma_wait3A_17 = tpu.memref_slice %arg3[%dma_wait3A] : memref<27520xf32, #tpu.memory_space<hbm>> -> memref<5504xf32, #tpu.memory_space<hbm>>
      %dma_wait3A_18 = arith.constant 5504 : i32
      %dma_wait3A_19 = tpu.memref_slice %arg3[%dma_wait3A_18] : memref<27520xf32, #tpu.memory_space<hbm>> -> memref<5504xf32, #tpu.memory_space<hbm>>
      tpu.wait_dma2 semaphore(%run_scoped3A : memref<!tpu.dma_semaphore, #tpu.memory_space<semaphore_mem>>) src(%dma_wait3A_19 : memref<5504xf32, #tpu.memory_space<hbm>>) dst(%arg7 : memref<5504xf32, #tpu.memory_space<vmem>>)
      tpu.yield
    }) : () -> ()
    "tpu.region"() ({
      %run_scoped3A = tpu.sem_alloc : memref<!tpu.dma_semaphore, #tpu.memory_space<semaphore_mem>>
      %dma_start3A = arith.constant 11008 : i32
      %dma_start3A_14 = tpu.memref_slice %arg3[%dma_start3A] : memref<27520xf32, #tpu.memory_space<hbm>> -> memref<5504xf32, #tpu.memory_space<hbm>>
      %dma_start3A_15 = arith.constant 11008 : i32
      %dma_start3A_16 = tpu.memref_slice %arg3[%dma_start3A_15] : memref<27520xf32, #tpu.memory_space<hbm>> -> memref<5504xf32, #tpu.memory_space<hbm>>
      tpu.enqueue_dma source(%dma_start3A_16 : memref<5504xf32, #tpu.memory_space<hbm>>) target(%arg8 : memref<5504xf32, #tpu.memory_space<vmem>>) target_semaphore(%run_scoped3A : memref<!tpu.dma_semaphore, #tpu.memory_space<semaphore_mem>>)
      %dma_wait3A = arith.constant 11008 : i32
      %dma_wait3A_17 = tpu.memref_slice %arg3[%dma_wait3A] : memref<27520xf32, #tpu.memory_space<hbm>> -> memref<5504xf32, #tpu.memory_space<hbm>>
      %dma_wait3A_18 = arith.constant 11008 : i32
      %dma_wait3A_19 = tpu.memref_slice %arg3[%dma_wait3A_18] : memref<27520xf32, #tpu.memory_space<hbm>> -> memref<5504xf32, #tpu.memory_space<hbm>>
      tpu.wait_dma2 semaphore(%run_scoped3A : memref<!tpu.dma_semaphore, #tpu.memory_space<semaphore_mem>>) src(%dma_wait3A_19 : memref<5504xf32, #tpu.memory_space<hbm>>) dst(%arg8 : memref<5504xf32, #tpu.memory_space<vmem>>)
      tpu.yield
    }) : () -> ()
    "tpu.region"() ({
      %run_scoped3A = tpu.sem_alloc : memref<!tpu.dma_semaphore, #tpu.memory_space<semaphore_mem>>
      %dma_start3A = arith.constant 16512 : i32
      %dma_start3A_14 = tpu.memref_slice %arg3[%dma_start3A] : memref<27520xf32, #tpu.memory_space<hbm>> -> memref<5504xf32, #tpu.memory_space<hbm>>
      %dma_start3A_15 = arith.constant 16512 : i32
      %dma_start3A_16 = tpu.memref_slice %arg3[%dma_start3A_15] : memref<27520xf32, #tpu.memory_space<hbm>> -> memref<5504xf32, #tpu.memory_space<hbm>>
      tpu.enqueue_dma source(%dma_start3A_16 : memref<5504xf32, #tpu.memory_space<hbm>>) target(%arg9 : memref<5504xf32, #tpu.memory_space<vmem>>) target_semaphore(%run_scoped3A : memref<!tpu.dma_semaphore, #tpu.memory_space<semaphore_mem>>)
      %dma_wait3A = arith.constant 16512 : i32
      %dma_wait3A_17 = tpu.memref_slice %arg3[%dma_wait3A] : memref<27520xf32, #tpu.memory_space<hbm>> -> memref<5504xf32, #tpu.memory_space<hbm>>
      %dma_wait3A_18 = arith.constant 16512 : i32
      %dma_wait3A_19 = tpu.memref_slice %arg3[%dma_wait3A_18] : memref<27520xf32, #tpu.memory_space<hbm>> -> memref<5504xf32, #tpu.memory_space<hbm>>
      tpu.wait_dma2 semaphore(%run_scoped3A : memref<!tpu.dma_semaphore, #tpu.memory_space<semaphore_mem>>) src(%dma_wait3A_19 : memref<5504xf32, #tpu.memory_space<hbm>>) dst(%arg9 : memref<5504xf32, #tpu.memory_space<vmem>>)
      tpu.yield
    }) : () -> ()
    "tpu.region"() ({
      %run_scoped3A = tpu.sem_alloc : memref<!tpu.dma_semaphore, #tpu.memory_space<semaphore_mem>>
      %dma_start3A = arith.constant 22016 : i32
      %dma_start3A_14 = tpu.memref_slice %arg3[%dma_start3A] : memref<27520xf32, #tpu.memory_space<hbm>> -> memref<5504xf32, #tpu.memory_space<hbm>>
      %dma_start3A_15 = arith.constant 22016 : i32
      %dma_start3A_16 = tpu.memref_slice %arg3[%dma_start3A_15] : memref<27520xf32, #tpu.memory_space<hbm>> -> memref<5504xf32, #tpu.memory_space<hbm>>
      tpu.enqueue_dma source(%dma_start3A_16 : memref<5504xf32, #tpu.memory_space<hbm>>) target(%arg10 : memref<5504xf32, #tpu.memory_space<vmem>>) target_semaphore(%run_scoped3A : memref<!tpu.dma_semaphore, #tpu.memory_space<semaphore_mem>>)
      %dma_wait3A = arith.constant 22016 : i32
      %dma_wait3A_17 = tpu.memref_slice %arg3[%dma_wait3A] : memref<27520xf32, #tpu.memory_space<hbm>> -> memref<5504xf32, #tpu.memory_space<hbm>>
      %dma_wait3A_18 = arith.constant 22016 : i32
      %dma_wait3A_19 = tpu.memref_slice %arg3[%dma_wait3A_18] : memref<27520xf32, #tpu.memory_space<hbm>> -> memref<5504xf32, #tpu.memory_space<hbm>>
      tpu.wait_dma2 semaphore(%run_scoped3A : memref<!tpu.dma_semaphore, #tpu.memory_space<semaphore_mem>>) src(%dma_wait3A_19 : memref<5504xf32, #tpu.memory_space<hbm>>) dst(%arg10 : memref<5504xf32, #tpu.memory_space<vmem>>)
      tpu.yield
    }) : () -> ()
    %scan3A = arith.constant 0 : i32
    %scan3A_10 = arith.constant 3 : i32
    %scan3A_11 = arith.addi %scan3A, %scan3A_10 : i32
    %scan3A_12 = arith.constant 1 : i32
    scf.for %scan3A_14 = %scan3A to %scan3A_11 step %scan3A_12  : i32 {
      %mul3A_15 = arith.constant 1 : i32
      %mul3A_16 = arith.muli %scan3A_14, %mul3A_15 : i32
      %add3A_17 = arith.constant 0 : i32
      %add3A_18 = arith.addi %add3A_17, %mul3A_16 : i32
      %mul3A_19 = arith.constant 32 : i32
      %mul3A_20 = arith.muli %add3A_18, %mul3A_19 : i32
      %add3A_21 = arith.addi %add3A, %mul3A_20 : i32
      %lt3A = arith.constant 80 : i32
      %lt3A_22 = arith.cmpi slt, %add3A_21, %lt3A : i32
      %convert_element_type3A = arith.extui %lt3A_22 : i1 to i32
      %cond3A = arith.constant 0 : i32
      %cond3A_23 = arith.cmpi ne, %convert_element_type3A, %cond3A : i32
      scf.if %cond3A_23 {
        %mul3A_24 = arith.constant 5504 : i32
        %mul3A_25 = arith.muli %add3A_21, %mul3A_24 : i32
        "tpu.region"() ({
          %run_scoped3A = tpu.sem_alloc : memref<!tpu.dma_semaphore, #tpu.memory_space<semaphore_mem>>
          %dma_start3A = tpu.memref_slice %arg2[%mul3A_25] : memref<440320xf32, #tpu.memory_space<hbm>> -> memref<5504xf32, #tpu.memory_space<hbm>>
          %dma_start3A_110 = tpu.memref_slice %arg2[%mul3A_25] : memref<440320xf32, #tpu.memory_space<hbm>> -> memref<5504xf32, #tpu.memory_space<hbm>>
          tpu.enqueue_dma source(%dma_start3A_110 : memref<5504xf32, #tpu.memory_space<hbm>>) target(%arg5 : memref<5504xf32, #tpu.memory_space<vmem>>) target_semaphore(%run_scoped3A : memref<!tpu.dma_semaphore, #tpu.memory_space<semaphore_mem>>)
          %dma_wait3A = tpu.memref_slice %arg2[%mul3A_25] : memref<440320xf32, #tpu.memory_space<hbm>> -> memref<5504xf32, #tpu.memory_space<hbm>>
          %dma_wait3A_111 = tpu.memref_slice %arg2[%mul3A_25] : memref<440320xf32, #tpu.memory_space<hbm>> -> memref<5504xf32, #tpu.memory_space<hbm>>
          tpu.wait_dma2 semaphore(%run_scoped3A : memref<!tpu.dma_semaphore, #tpu.memory_space<semaphore_mem>>) src(%dma_wait3A_111 : memref<5504xf32, #tpu.memory_space<hbm>>) dst(%arg5 : memref<5504xf32, #tpu.memory_space<vmem>>)
          tpu.yield
        }) : () -> ()
        %swap3A = arith.constant 0 : index
        %swap3A_26 = tpu.vector_load %arg13[%swap3A] {strides = array<i32>} : memref<192xf32, #tpu.memory_space<vmem>>, vector<16xf32>,
        tpu.vector_store %arg13[%swap3A], %broadcast_in_dim3A_3 {strides = array<i32>} : memref<192xf32, #tpu.memory_space<vmem>>, vector<16xf32>,
        %swap3A_27 = arith.constant 16 : index
        %swap3A_28 = tpu.vector_load %arg13[%swap3A_27] {strides = array<i32>} : memref<192xf32, #tpu.memory_space<vmem>>, vector<16xf32>,
        tpu.vector_store %arg13[%swap3A_27], %broadcast_in_dim3A_3 {strides = array<i32>} : memref<192xf32, #tpu.memory_space<vmem>>, vector<16xf32>,
        %swap3A_29 = arith.constant 32 : index
        %swap3A_30 = tpu.vector_load %arg13[%swap3A_29] {strides = array<i32>} : memref<192xf32, #tpu.memory_space<vmem>>, vector<16xf32>,
        tpu.vector_store %arg13[%swap3A_29], %broadcast_in_dim3A_3 {strides = array<i32>} : memref<192xf32, #tpu.memory_space<vmem>>, vector<16xf32>,
        %swap3A_31 = arith.constant 48 : index
        %swap3A_32 = tpu.vector_load %arg13[%swap3A_31] {strides = array<i32>} : memref<192xf32, #tpu.memory_space<vmem>>, vector<16xf32>,
        tpu.vector_store %arg13[%swap3A_31], %broadcast_in_dim3A_3 {strides = array<i32>} : memref<192xf32, #tpu.memory_space<vmem>>, vector<16xf32>,
        %swap3A_33 = arith.constant 64 : index
        %swap3A_34 = tpu.vector_load %arg13[%swap3A_33] {strides = array<i32>} : memref<192xf32, #tpu.memory_space<vmem>>, vector<16xf32>,
        tpu.vector_store %arg13[%swap3A_33], %broadcast_in_dim3A_3 {strides = array<i32>} : memref<192xf32, #tpu.memory_space<vmem>>, vector<16xf32>,
        %swap3A_35 = arith.constant 80 : index
        %swap3A_36 = tpu.vector_load %arg13[%swap3A_35] {strides = array<i32>} : memref<192xf32, #tpu.memory_space<vmem>>, vector<16xf32>,
        tpu.vector_store %arg13[%swap3A_35], %broadcast_in_dim3A_3 {strides = array<i32>} : memref<192xf32, #tpu.memory_space<vmem>>, vector<16xf32>,
        %swap3A_37 = arith.constant 96 : index
        %swap3A_38 = tpu.vector_load %arg13[%swap3A_37] {strides = array<i32>} : memref<192xf32, #tpu.memory_space<vmem>>, vector<16xf32>,
        tpu.vector_store %arg13[%swap3A_37], %broadcast_in_dim3A_3 {strides = array<i32>} : memref<192xf32, #tpu.memory_space<vmem>>, vector<16xf32>,
        %swap3A_39 = arith.constant 112 : index
        %swap3A_40 = tpu.vector_load %arg13[%swap3A_39] {strides = array<i32>} : memref<192xf32, #tpu.memory_space<vmem>>, vector<16xf32>,
        tpu.vector_store %arg13[%swap3A_39], %broadcast_in_dim3A_3 {strides = array<i32>} : memref<192xf32, #tpu.memory_space<vmem>>, vector<16xf32>,
        %swap3A_41 = arith.constant 128 : index
        %swap3A_42 = tpu.vector_load %arg13[%swap3A_41] {strides = array<i32>} : memref<192xf32, #tpu.memory_space<vmem>>, vector<16xf32>,
        tpu.vector_store %arg13[%swap3A_41], %broadcast_in_dim3A_3 {strides = array<i32>} : memref<192xf32, #tpu.memory_space<vmem>>, vector<16xf32>,
        %swap3A_43 = arith.constant 144 : index
        %swap3A_44 = tpu.vector_load %arg13[%swap3A_43] {strides = array<i32>} : memref<192xf32, #tpu.memory_space<vmem>>, vector<16xf32>,
        tpu.vector_store %arg13[%swap3A_43], %broadcast_in_dim3A_3 {strides = array<i32>} : memref<192xf32, #tpu.memory_space<vmem>>, vector<16xf32>,
        %scan3A_45 = arith.constant 0 : i32
        %scan3A_46 = arith.constant 0 : i32
        %scan3A_47 = arith.constant 344 : i32
        %scan3A_48 = arith.addi %scan3A_46, %scan3A_47 : i32
        %scan3A_49 = arith.constant 4 : i32
        %scan3A_50 = scf.for %scan3A_110 = %scan3A_46 to %scan3A_48 step %scan3A_49 iter_args(%scan3A_111 = %scan3A_45) -> (i32)  : i32 {
          %mul3A_112 = arith.constant 1 : i32
          %mul3A_113 = arith.muli %scan3A_110, %mul3A_112 : i32
          %add3A_114 = arith.constant 0 : i32
          %add3A_115 = arith.addi %add3A_114, %mul3A_113 : i32
          %mul3A_116 = arith.constant 16 : i32
          %mul3A_117 = arith.muli %add3A_115, %mul3A_116 : i32
          %get3A = arith.index_cast %mul3A_117 : i32 to index
          %get3A_118 = tpu.vector_load %arg5[%get3A] {strides = array<i32>} : memref<5504xf32, #tpu.memory_space<vmem>>, vector<16xf32>,
          %gt3A = arith.constant 0.000000e+00 : f32
          %gt3A_119 = vector.broadcast %gt3A : f32 to vector<16xf32>
          %gt3A_120 = arith.cmpf ogt, %get3A_118, %gt3A_119 : vector<16xf32>
          %swap3A_121 = arith.index_cast %scan3A_111 : i32 to index
          %swap3A_122 = tpu.vector_load %arg11[%swap3A_121] masked %gt3A_120 {strides = array<i32>} : memref<5536xf32, #tpu.memory_space<vmem>>, vector<16xf32>, vector<16xi1>
          tpu.vector_store %arg11[%swap3A_121], %get3A_118 masked %gt3A_120 {strides = array<i32>} : memref<5536xf32, #tpu.memory_space<vmem>>, vector<16xf32>, vector<16xi1>
          %mul3A_123 = arith.constant 16 : i32
          %mul3A_124 = arith.muli %add3A_115, %mul3A_123 : i32
          %add3A_125 = vector.broadcast %mul3A_124 : i32 to vector<16xi32>
          %add3A_126 = arith.addi %add3A_125, %iota3A : vector<16xi32>
          %swap3A_127 = arith.index_cast %scan3A_111 : i32 to index
          %swap3A_128 = tpu.vector_load %arg12[%swap3A_127] masked %gt3A_120 {strides = array<i32>} : memref<5536xi32, #tpu.memory_space<vmem>>, vector<16xi32>, vector<16xi1>
          tpu.vector_store %arg12[%swap3A_127], %add3A_126 masked %gt3A_120 {strides = array<i32>} : memref<5536xi32, #tpu.memory_space<vmem>>, vector<16xi32>, vector<16xi1>
          %all_reduce_population_count3A = tpu.all_reduce %gt3A_120 {dim = 0 : i64, kind = #tpu.reduction_kind<sum>} : vector<16xi1> -> vector<16xi32>
          %slice3A = vector.extract_strided_slice %all_reduce_population_count3A {offsets = [0], sizes = [1], strides = [1]} : vector<16xi32> to vector<1xi32>
          %squeeze3A = vector.extract %slice3A[0] : i32 from vector<1xi32>
          %add3A_129 = arith.addi %scan3A_111, %squeeze3A : i32
          %scan3A_130 = arith.constant 1 : i32
          %scan3A_131 = arith.addi %scan3A_110, %scan3A_130 : i32
          %mul3A_132 = arith.constant 1 : i32
          %mul3A_133 = arith.muli %scan3A_131, %mul3A_132 : i32
          %add3A_134 = arith.constant 0 : i32
          %add3A_135 = arith.addi %add3A_134, %mul3A_133 : i32
          %mul3A_136 = arith.constant 16 : i32
          %mul3A_137 = arith.muli %add3A_135, %mul3A_136 : i32
          %get3A_138 = arith.index_cast %mul3A_137 : i32 to index
          %get3A_139 = tpu.vector_load %arg5[%get3A_138] {strides = array<i32>} : memref<5504xf32, #tpu.memory_space<vmem>>, vector<16xf32>,
          %gt3A_140 = arith.constant 0.000000e+00 : f32
          %gt3A_141 = vector.broadcast %gt3A_140 : f32 to vector<16xf32>
          %gt3A_142 = arith.cmpf ogt, %get3A_139, %gt3A_141 : vector<16xf32>
          %swap3A_143 = arith.index_cast %add3A_129 : i32 to index
          %swap3A_144 = tpu.vector_load %arg11[%swap3A_143] masked %gt3A_142 {strides = array<i32>} : memref<5536xf32, #tpu.memory_space<vmem>>, vector<16xf32>, vector<16xi1>
          tpu.vector_store %arg11[%swap3A_143], %get3A_139 masked %gt3A_142 {strides = array<i32>} : memref<5536xf32, #tpu.memory_space<vmem>>, vector<16xf32>, vector<16xi1>
          %mul3A_145 = arith.constant 16 : i32
          %mul3A_146 = arith.muli %add3A_135, %mul3A_145 : i32
          %add3A_147 = vector.broadcast %mul3A_146 : i32 to vector<16xi32>
          %add3A_148 = arith.addi %add3A_147, %iota3A : vector<16xi32>
          %swap3A_149 = arith.index_cast %add3A_129 : i32 to index
          %swap3A_150 = tpu.vector_load %arg12[%swap3A_149] masked %gt3A_142 {strides = array<i32>} : memref<5536xi32, #tpu.memory_space<vmem>>, vector<16xi32>, vector<16xi1>
          tpu.vector_store %arg12[%swap3A_149], %add3A_148 masked %gt3A_142 {strides = array<i32>} : memref<5536xi32, #tpu.memory_space<vmem>>, vector<16xi32>, vector<16xi1>
          %all_reduce_population_count3A_151 = tpu.all_reduce %gt3A_142 {dim = 0 : i64, kind = #tpu.reduction_kind<sum>} : vector<16xi1> -> vector<16xi32>
          %slice3A_152 = vector.extract_strided_slice %all_reduce_population_count3A_151 {offsets = [0], sizes = [1], strides = [1]} : vector<16xi32> to vector<1xi32>
          %squeeze3A_153 = vector.extract %slice3A_152[0] : i32 from vector<1xi32>
          %add3A_154 = arith.addi %add3A_129, %squeeze3A_153 : i32
          %scan3A_155 = arith.constant 2 : i32
          %scan3A_156 = arith.addi %scan3A_110, %scan3A_155 : i32
          %mul3A_157 = arith.constant 1 : i32
          %mul3A_158 = arith.muli %scan3A_156, %mul3A_157 : i32
          %add3A_159 = arith.constant 0 : i32
          %add3A_160 = arith.addi %add3A_159, %mul3A_158 : i32
          %mul3A_161 = arith.constant 16 : i32
          %mul3A_162 = arith.muli %add3A_160, %mul3A_161 : i32
          %get3A_163 = arith.index_cast %mul3A_162 : i32 to index
          %get3A_164 = tpu.vector_load %arg5[%get3A_163] {strides = array<i32>} : memref<5504xf32, #tpu.memory_space<vmem>>, vector<16xf32>,
          %gt3A_165 = arith.constant 0.000000e+00 : f32
          %gt3A_166 = vector.broadcast %gt3A_165 : f32 to vector<16xf32>
          %gt3A_167 = arith.cmpf ogt, %get3A_164, %gt3A_166 : vector<16xf32>
          %swap3A_168 = arith.index_cast %add3A_154 : i32 to index
          %swap3A_169 = tpu.vector_load %arg11[%swap3A_168] masked %gt3A_167 {strides = array<i32>} : memref<5536xf32, #tpu.memory_space<vmem>>, vector<16xf32>, vector<16xi1>
          tpu.vector_store %arg11[%swap3A_168], %get3A_164 masked %gt3A_167 {strides = array<i32>} : memref<5536xf32, #tpu.memory_space<vmem>>, vector<16xf32>, vector<16xi1>
          %mul3A_170 = arith.constant 16 : i32
          %mul3A_171 = arith.muli %add3A_160, %mul3A_170 : i32
          %add3A_172 = vector.broadcast %mul3A_171 : i32 to vector<16xi32>
          %add3A_173 = arith.addi %add3A_172, %iota3A : vector<16xi32>
          %swap3A_174 = arith.index_cast %add3A_154 : i32 to index
          %swap3A_175 = tpu.vector_load %arg12[%swap3A_174] masked %gt3A_167 {strides = array<i32>} : memref<5536xi32, #tpu.memory_space<vmem>>, vector<16xi32>, vector<16xi1>
          tpu.vector_store %arg12[%swap3A_174], %add3A_173 masked %gt3A_167 {strides = array<i32>} : memref<5536xi32, #tpu.memory_space<vmem>>, vector<16xi32>, vector<16xi1>
          %all_reduce_population_count3A_176 = tpu.all_reduce %gt3A_167 {dim = 0 : i64, kind = #tpu.reduction_kind<sum>} : vector<16xi1> -> vector<16xi32>
          %slice3A_177 = vector.extract_strided_slice %all_reduce_population_count3A_176 {offsets = [0], sizes = [1], strides = [1]} : vector<16xi32> to vector<1xi32>
          %squeeze3A_178 = vector.extract %slice3A_177[0] : i32 from vector<1xi32>
          %add3A_179 = arith.addi %add3A_154, %squeeze3A_178 : i32
          %scan3A_180 = arith.constant 3 : i32
          %scan3A_181 = arith.addi %scan3A_110, %scan3A_180 : i32
          %mul3A_182 = arith.constant 1 : i32
          %mul3A_183 = arith.muli %scan3A_181, %mul3A_182 : i32
          %add3A_184 = arith.constant 0 : i32
          %add3A_185 = arith.addi %add3A_184, %mul3A_183 : i32
          %mul3A_186 = arith.constant 16 : i32
          %mul3A_187 = arith.muli %add3A_185, %mul3A_186 : i32
          %get3A_188 = arith.index_cast %mul3A_187 : i32 to index
          %get3A_189 = tpu.vector_load %arg5[%get3A_188] {strides = array<i32>} : memref<5504xf32, #tpu.memory_space<vmem>>, vector<16xf32>,
          %gt3A_190 = arith.constant 0.000000e+00 : f32
          %gt3A_191 = vector.broadcast %gt3A_190 : f32 to vector<16xf32>
          %gt3A_192 = arith.cmpf ogt, %get3A_189, %gt3A_191 : vector<16xf32>
          %swap3A_193 = arith.index_cast %add3A_179 : i32 to index
          %swap3A_194 = tpu.vector_load %arg11[%swap3A_193] masked %gt3A_192 {strides = array<i32>} : memref<5536xf32, #tpu.memory_space<vmem>>, vector<16xf32>, vector<16xi1>
          tpu.vector_store %arg11[%swap3A_193], %get3A_189 masked %gt3A_192 {strides = array<i32>} : memref<5536xf32, #tpu.memory_space<vmem>>, vector<16xf32>, vector<16xi1>
          %mul3A_195 = arith.constant 16 : i32
          %mul3A_196 = arith.muli %add3A_185, %mul3A_195 : i32
          %add3A_197 = vector.broadcast %mul3A_196 : i32 to vector<16xi32>
          %add3A_198 = arith.addi %add3A_197, %iota3A : vector<16xi32>
          %swap3A_199 = arith.index_cast %add3A_179 : i32 to index
          %swap3A_200 = tpu.vector_load %arg12[%swap3A_199] masked %gt3A_192 {strides = array<i32>} : memref<5536xi32, #tpu.memory_space<vmem>>, vector<16xi32>, vector<16xi1>
          tpu.vector_store %arg12[%swap3A_199], %add3A_198 masked %gt3A_192 {strides = array<i32>} : memref<5536xi32, #tpu.memory_space<vmem>>, vector<16xi32>, vector<16xi1>
          %all_reduce_population_count3A_201 = tpu.all_reduce %gt3A_192 {dim = 0 : i64, kind = #tpu.reduction_kind<sum>} : vector<16xi1> -> vector<16xi32>
          %slice3A_202 = vector.extract_strided_slice %all_reduce_population_count3A_201 {offsets = [0], sizes = [1], strides = [1]} : vector<16xi32> to vector<1xi32>
          %squeeze3A_203 = vector.extract %slice3A_202[0] : i32 from vector<1xi32>
          %add3A_204 = arith.addi %add3A_179, %squeeze3A_203 : i32
          scf.yield %add3A_204 : i32
        }
        %scan3A_51 = arith.constant 344 : i32
        %add3A_52 = vector.broadcast %scan3A_50 : i32 to vector<16xi32>
        %add3A_53 = arith.addi %add3A_52, %iota3A : vector<16xi32>
        tpu.vector_store_idx %arg11[%add3A_53], %broadcast_in_dim3A_3 : memref<5536xf32, #tpu.memory_space<vmem>>[vector<16xi32>], vector<16xf32>,
        %add3A_54 = arith.constant 16 : i32
        %add3A_55 = arith.addi %scan3A_50, %add3A_54 : i32
        %add3A_56 = vector.broadcast %add3A_55 : i32 to vector<16xi32>
        %add3A_57 = arith.addi %add3A_56, %iota3A : vector<16xi32>
        tpu.vector_store_idx %arg11[%add3A_57], %broadcast_in_dim3A_3 : memref<5536xf32, #tpu.memory_space<vmem>>[vector<16xi32>], vector<16xf32>,
        %add3A_58 = vector.broadcast %scan3A_50 : i32 to vector<16xi32>
        %add3A_59 = arith.addi %add3A_58, %iota3A : vector<16xi32>
        tpu.vector_store_idx %arg12[%add3A_59], %broadcast_in_dim3A_5 : memref<5536xi32, #tpu.memory_space<vmem>>[vector<16xi32>], vector<16xi32>,
        %add3A_60 = arith.constant 16 : i32
        %add3A_61 = arith.addi %scan3A_50, %add3A_60 : i32
        %add3A_62 = vector.broadcast %add3A_61 : i32 to vector<16xi32>
        %add3A_63 = arith.addi %add3A_62, %iota3A : vector<16xi32>
        tpu.vector_store_idx %arg12[%add3A_63], %broadcast_in_dim3A_5 : memref<5536xi32, #tpu.memory_space<vmem>>[vector<16xi32>], vector<16xi32>,
        %add3A_64 = arith.constant 15 : i32
        %add3A_65 = arith.addi %scan3A_50, %add3A_64 : i32
        %jit3A = arith.constant 16 : i32
        %div3A = arith.divsi %add3A_65, %jit3A : i32
        %sign3A = arith.constant 0 : i32
        %sign3A_66 = arith.cmpi sgt, %add3A_65, %sign3A : i32
        %sign3A_67 = arith.extui %sign3A_66 : i1 to i32
        %sign3A_68 = arith.constant 0 : i32
        %sign3A_69 = arith.cmpi slt, %add3A_65, %sign3A_68 : i32
        %sign3A_70 = arith.extui %sign3A_69 : i1 to i32
        %sign3A_71 = arith.subi %sign3A_67, %sign3A_70 : i32
        %sign3A_72 = arith.constant 0 : i32
        %sign3A_73 = arith.cmpi sgt, %jit3A, %sign3A_72 : i32
        %sign3A_74 = arith.extui %sign3A_73 : i1 to i32
        %sign3A_75 = arith.constant 0 : i32
        %sign3A_76 = arith.cmpi slt, %jit3A, %sign3A_75 : i32
        %sign3A_77 = arith.extui %sign3A_76 : i1 to i32
        %sign3A_78 = arith.subi %sign3A_74, %sign3A_77 : i32
        %ne3A = arith.cmpi ne, %sign3A_71, %sign3A_78 : i32
        %rem3A = arith.remsi %add3A_65, %jit3A : i32
        %ne3A_79 = arith.constant 0 : i32
        %ne3A_80 = arith.cmpi ne, %rem3A, %ne3A_79 : i32
        %and3A = arith.andi %ne3A, %ne3A_80 : i1
        %sub3A = arith.constant 1 : i32
        %sub3A_81 = arith.subi %div3A, %sub3A : i32
        %select_n3A = arith.select %and3A, %sub3A_81, %div3A : i32
        %sub3A_82 = arith.constant 0 : i32
        %sub3A_83 = arith.subi %select_n3A, %sub3A_82 : i32
        %sub3A_84 = arith.constant 1 : i32
        %sub3A_85 = arith.constant 1 : i32
        %sub3A_86 = arith.subi %sub3A_84, %sub3A_85 : i32
        %add3A_87 = arith.addi %sub3A_83, %sub3A_86 : i32
        %div3A_88 = arith.constant 1 : i32
        %div3A_89 = arith.divsi %add3A_87, %div3A_88 : i32
        %while3A = arith.constant 1 : i32
        %while3A_90 = arith.constant 0 : i32
        %while3A_91 = arith.constant 0 : i32
        %while3A_92 = arith.subi %div3A_89, %while3A_91 : i32
        %while3A_93 = arith.addi %while3A_91, %while3A_92 : i32
        %while3A_94 = arith.constant 1 : i32
        %while3A_95 = arith.divsi %while3A_92, %while3A_94 : i32
        %while3A_96 = arith.muli %while3A_95, %while3A_94 : i32
        %while3A_97 = arith.addi %while3A_91, %while3A_96 : i32
        %while3A_98 = arith.constant 1 : i32
        %while3A_99:2 = scf.for %while3A_110 = %while3A_91 to %while3A_97 step %while3A_98 iter_args(%while3A_111 = %broadcast_in_dim3A_7, %while3A_112 = %broadcast_in_dim3A_9) -> (vector<16xf32>, vector<16xi32>)  : i32 {
          %mul3A_113 = arith.muli %while3A_110, %while3A : i32
          %add3A_114 = arith.addi %while3A_90, %mul3A_113 : i32
          %mul3A_115 = arith.constant 16 : i32
          %mul3A_116 = arith.muli %add3A_114, %mul3A_115 : i32
          %get3A = arith.index_cast %mul3A_116 : i32 to index
          %get3A_117 = tpu.vector_load %arg12[%get3A] {strides = array<i32>} : memref<5536xi32, #tpu.memory_space<vmem>>, vector<16xi32>,
          %gather3A = tpu.vector_load_idx %arg6[%get3A_117] : memref<5504xf32, #tpu.memory_space<vmem>>[vector<16xi32>], vector<16xf32>,
          %swap3A_118 = arith.index_cast %mul3A_116 : i32 to index
          %swap3A_119 = tpu.vector_load %arg16[%swap3A_118] {strides = array<i32>} : memref<5536xf32, #tpu.memory_space<vmem>>, vector<16xf32>,
          tpu.vector_store %arg16[%swap3A_118], %gather3A {strides = array<i32>} : memref<5536xf32, #tpu.memory_space<vmem>>, vector<16xf32>,
          %gather3A_120 = tpu.vector_load_idx %arg7[%get3A_117] : memref<5504xf32, #tpu.memory_space<vmem>>[vector<16xi32>], vector<16xf32>,
          %swap3A_121 = arith.index_cast %mul3A_116 : i32 to index
          %swap3A_122 = tpu.vector_load %arg17[%swap3A_121] {strides = array<i32>} : memref<5536xf32, #tpu.memory_space<vmem>>, vector<16xf32>,
          tpu.vector_store %arg17[%swap3A_121], %gather3A_120 {strides = array<i32>} : memref<5536xf32, #tpu.memory_space<vmem>>, vector<16xf32>,
          %gather3A_123 = tpu.vector_load_idx %arg8[%get3A_117] : memref<5504xf32, #tpu.memory_space<vmem>>[vector<16xi32>], vector<16xf32>,
          %swap3A_124 = arith.index_cast %mul3A_116 : i32 to index
          %swap3A_125 = tpu.vector_load %arg18[%swap3A_124] {strides = array<i32>} : memref<5536xf32, #tpu.memory_space<vmem>>, vector<16xf32>,
          tpu.vector_store %arg18[%swap3A_124], %gather3A_123 {strides = array<i32>} : memref<5536xf32, #tpu.memory_space<vmem>>, vector<16xf32>,
          %gather3A_126 = tpu.vector_load_idx %arg9[%get3A_117] : memref<5504xf32, #tpu.memory_space<vmem>>[vector<16xi32>], vector<16xf32>,
          %swap3A_127 = arith.index_cast %mul3A_116 : i32 to index
          %swap3A_128 = tpu.vector_load %arg19[%swap3A_127] {strides = array<i32>} : memref<5536xf32, #tpu.memory_space<vmem>>, vector<16xf32>,
          tpu.vector_store %arg19[%swap3A_127], %gather3A_126 {strides = array<i32>} : memref<5536xf32, #tpu.memory_space<vmem>>, vector<16xf32>,
          %gather3A_129 = tpu.vector_load_idx %arg10[%get3A_117] : memref<5504xf32, #tpu.memory_space<vmem>>[vector<16xi32>], vector<16xf32>,
          %swap3A_130 = arith.index_cast %mul3A_116 : i32 to index
          %swap3A_131 = tpu.vector_load %arg20[%swap3A_130] {strides = array<i32>} : memref<5536xf32, #tpu.memory_space<vmem>>, vector<16xf32>,
          tpu.vector_store %arg20[%swap3A_130], %gather3A_129 {strides = array<i32>} : memref<5536xf32, #tpu.memory_space<vmem>>, vector<16xf32>,
          %get3A_132 = arith.index_cast %mul3A_116 : i32 to index
          %get3A_133 = tpu.vector_load %arg11[%get3A_132] {strides = array<i32>} : memref<5536xf32, #tpu.memory_space<vmem>>, vector<16xf32>,
          %gt3A = arith.cmpf ogt, %get3A_133, %while3A_111 : vector<16xf32>
          %select_n3A_134 = arith.select %gt3A, %get3A_133, %while3A_111 : vector<16xi1>, vector<16xf32>
          %broadcast_in_dim3A_135 = vector.broadcast %add3A_114 : i32 to vector<16xi32>
          %select_n3A_136 = arith.select %gt3A, %broadcast_in_dim3A_135, %while3A_112 : vector<16xi1>, vector<16xi32>
          scf.yield %select_n3A_134, %select_n3A_136 : vector<16xf32>, vector<16xi32>
        }
        %while3A_100 = arith.constant 1 : i32
        %while3A_101:2 = scf.for %while3A_110 = %while3A_97 to %while3A_93 step %while3A_100 iter_args(%while3A_111 = %while3A_99#0, %while3A_112 = %while3A_99#1) -> (vector<16xf32>, vector<16xi32>)  : i32 {
          %mul3A_113 = arith.muli %while3A_110, %while3A : i32
          %add3A_114 = arith.addi %while3A_90, %mul3A_113 : i32
          %mul3A_115 = arith.constant 16 : i32
          %mul3A_116 = arith.muli %add3A_114, %mul3A_115 : i32
          %get3A = arith.index_cast %mul3A_116 : i32 to index
          %get3A_117 = tpu.vector_load %arg12[%get3A] {strides = array<i32>} : memref<5536xi32, #tpu.memory_space<vmem>>, vector<16xi32>,
          %gather3A = tpu.vector_load_idx %arg6[%get3A_117] : memref<5504xf32, #tpu.memory_space<vmem>>[vector<16xi32>], vector<16xf32>,
          %swap3A_118 = arith.index_cast %mul3A_116 : i32 to index
          %swap3A_119 = tpu.vector_load %arg16[%swap3A_118] {strides = array<i32>} : memref<5536xf32, #tpu.memory_space<vmem>>, vector<16xf32>,
          tpu.vector_store %arg16[%swap3A_118], %gather3A {strides = array<i32>} : memref<5536xf32, #tpu.memory_space<vmem>>, vector<16xf32>,
          %gather3A_120 = tpu.vector_load_idx %arg7[%get3A_117] : memref<5504xf32, #tpu.memory_space<vmem>>[vector<16xi32>], vector<16xf32>,
          %swap3A_121 = arith.index_cast %mul3A_116 : i32 to index
          %swap3A_122 = tpu.vector_load %arg17[%swap3A_121] {strides = array<i32>} : memref<5536xf32, #tpu.memory_space<vmem>>, vector<16xf32>,
          tpu.vector_store %arg17[%swap3A_121], %gather3A_120 {strides = array<i32>} : memref<5536xf32, #tpu.memory_space<vmem>>, vector<16xf32>,
          %gather3A_123 = tpu.vector_load_idx %arg8[%get3A_117] : memref<5504xf32, #tpu.memory_space<vmem>>[vector<16xi32>], vector<16xf32>,
          %swap3A_124 = arith.index_cast %mul3A_116 : i32 to index
          %swap3A_125 = tpu.vector_load %arg18[%swap3A_124] {strides = array<i32>} : memref<5536xf32, #tpu.memory_space<vmem>>, vector<16xf32>,
          tpu.vector_store %arg18[%swap3A_124], %gather3A_123 {strides = array<i32>} : memref<5536xf32, #tpu.memory_space<vmem>>, vector<16xf32>,
          %gather3A_126 = tpu.vector_load_idx %arg9[%get3A_117] : memref<5504xf32, #tpu.memory_space<vmem>>[vector<16xi32>], vector<16xf32>,
          %swap3A_127 = arith.index_cast %mul3A_116 : i32 to index
          %swap3A_128 = tpu.vector_load %arg19[%swap3A_127] {strides = array<i32>} : memref<5536xf32, #tpu.memory_space<vmem>>, vector<16xf32>,
          tpu.vector_store %arg19[%swap3A_127], %gather3A_126 {strides = array<i32>} : memref<5536xf32, #tpu.memory_space<vmem>>, vector<16xf32>,
          %gather3A_129 = tpu.vector_load_idx %arg10[%get3A_117] : memref<5504xf32, #tpu.memory_space<vmem>>[vector<16xi32>], vector<16xf32>,
          %swap3A_130 = arith.index_cast %mul3A_116 : i32 to index
          %swap3A_131 = tpu.vector_load %arg20[%swap3A_130] {strides = array<i32>} : memref<5536xf32, #tpu.memory_space<vmem>>, vector<16xf32>,
          tpu.vector_store %arg20[%swap3A_130], %gather3A_129 {strides = array<i32>} : memref<5536xf32, #tpu.memory_space<vmem>>, vector<16xf32>,
          %get3A_132 = arith.index_cast %mul3A_116 : i32 to index
          %get3A_133 = tpu.vector_load %arg11[%get3A_132] {strides = array<i32>} : memref<5536xf32, #tpu.memory_space<vmem>>, vector<16xf32>,
          %gt3A = arith.cmpf ogt, %get3A_133, %while3A_111 : vector<16xf32>
          %select_n3A_134 = arith.select %gt3A, %get3A_133, %while3A_111 : vector<16xi1>, vector<16xf32>
          %broadcast_in_dim3A_135 = vector.broadcast %add3A_114 : i32 to vector<16xi32>
          %select_n3A_136 = arith.select %gt3A, %broadcast_in_dim3A_135, %while3A_112 : vector<16xi1>, vector<16xi32>
          scf.yield %select_n3A_134, %select_n3A_136 : vector<16xf32>, vector<16xi32>
        }
        %scan3A_102 = arith.constant 0 : i32
        %scan3A_103 = arith.constant 20 : i32
        %scan3A_104 = arith.addi %scan3A_102, %scan3A_103 : i32
        %scan3A_105 = arith.constant 1 : i32
        %scan3A_106:2 = scf.for %scan3A_110 = %scan3A_102 to %scan3A_104 step %scan3A_105 iter_args(%scan3A_111 = %while3A_101#0, %scan3A_112 = %while3A_101#1) -> (vector<16xf32>, vector<16xi32>)  : i32 {
          %mul3A_113 = arith.constant 1 : i32
          %mul3A_114 = arith.muli %scan3A_110, %mul3A_113 : i32
          %add3A_115 = arith.constant 0 : i32
          %add3A_116 = arith.addi %add3A_115, %mul3A_114 : i32
          %broadcast_in_dim3A_117 = arith.constant true
          %broadcast_in_dim3A_118 = vector.broadcast %broadcast_in_dim3A_117 : i1 to vector<16xi1>
          %masked_cummax3A = tpu.scan <max>, %scan3A_111 masked %broadcast_in_dim3A_118 : vector<16xf32>, vector<16xi1> -> vector<16xf32>
          %swap3A_119 = arith.constant 0 : index
          %swap3A_120 = tpu.vector_load %arg14[%swap3A_119] {strides = array<i32>} : memref<16xf32, #tpu.memory_space<vmem>>, vector<16xf32>,
          tpu.vector_store %arg14[%swap3A_119], %masked_cummax3A {strides = array<i32>} : memref<16xf32, #tpu.memory_space<vmem>>, vector<16xf32>,
          %gather3A = tpu.vector_load_idx %arg14[%broadcast_in_dim3A_1] : memref<16xf32, #tpu.memory_space<vmem>>[vector<16xi32>], vector<16xf32>,
          %mul3A_121 = arith.constant 16 : i32
          %mul3A_122 = vector.broadcast %mul3A_121 : i32 to vector<16xi32>
          %mul3A_123 = arith.muli %scan3A_112, %mul3A_122 : vector<16xi32>
          %add3A_124 = arith.addi %mul3A_123, %iota3A : vector<16xi32>
          %eq3A = arith.cmpf oeq, %scan3A_111, %gather3A : vector<16xf32>
          %jit3A_125 = arith.constant 1073741824 : i32
          %broadcast_in_dim3A_126 = vector.broadcast %jit3A_125 : i32 to vector<16xi32>
          %select_n3A_127 = arith.select %eq3A, %add3A_124, %broadcast_in_dim3A_126 : vector<16xi1>, vector<16xi32>
          %neg3A = arith.constant 0 : i32
          %neg3A_128 = vector.broadcast %neg3A : i32 to vector<16xi32>
          %neg3A_129 = arith.subi %neg3A_128, %select_n3A_127 : vector<16xi32>
          %broadcast_in_dim3A_130 = arith.constant true
          %broadcast_in_dim3A_131 = vector.broadcast %broadcast_in_dim3A_130 : i1 to vector<16xi1>
          %masked_cummax3A_132 = arith.constant -2147483648 : i32
          %masked_cummax3A_133 = vector.broadcast %masked_cummax3A_132 : i32 to vector<16xi32>
          %masked_cummax3A_134 = arith.xori %neg3A_129, %masked_cummax3A_133 : vector<16xi32>
          %masked_cummax3A_135 = tpu.scan <max>, %masked_cummax3A_134 masked %broadcast_in_dim3A_131 : vector<16xi32>, vector<16xi1> -> vector<16xi32>
          %masked_cummax3A_136 = arith.xori %masked_cummax3A_135, %masked_cummax3A_133 : vector<16xi32>
          %swap3A_137 = arith.constant 0 : index
          %swap3A_138 = tpu.vector_load %arg15[%swap3A_137] {strides = array<i32>} : memref<16xi32, #tpu.memory_space<vmem>>, vector<16xi32>,
          tpu.vector_store %arg15[%swap3A_137], %masked_cummax3A_136 {strides = array<i32>} : memref<16xi32, #tpu.memory_space<vmem>>, vector<16xi32>,
          %gather3A_139 = tpu.vector_load_idx %arg15[%broadcast_in_dim3A_1] : memref<16xi32, #tpu.memory_space<vmem>>[vector<16xi32>], vector<16xi32>,
          %neg3A_140 = arith.constant 0 : i32
          %neg3A_141 = vector.broadcast %neg3A_140 : i32 to vector<16xi32>
          %neg3A_142 = arith.subi %neg3A_141, %gather3A_139 : vector<16xi32>
          %gt3A = arith.constant 0.000000e+00 : f32
          %gt3A_143 = vector.broadcast %gt3A : f32 to vector<16xf32>
          %gt3A_144 = arith.cmpf ogt, %gather3A, %gt3A_143 : vector<16xf32>
          %gather3A_145 = tpu.vector_load_idx %arg16[%neg3A_142] : memref<5536xf32, #tpu.memory_space<vmem>>[vector<16xi32>], vector<16xf32>,
          %gather3A_146 = tpu.vector_load_idx %arg17[%neg3A_142] : memref<5536xf32, #tpu.memory_space<vmem>>[vector<16xi32>], vector<16xf32>,
          %gather3A_147 = tpu.vector_load_idx %arg18[%neg3A_142] : memref<5536xf32, #tpu.memory_space<vmem>>[vector<16xi32>], vector<16xf32>,
          %gather3A_148 = tpu.vector_load_idx %arg19[%neg3A_142] : memref<5536xf32, #tpu.memory_space<vmem>>[vector<16xi32>], vector<16xf32>,
          %gather3A_149 = tpu.vector_load_idx %arg20[%neg3A_142] : memref<5536xf32, #tpu.memory_space<vmem>>[vector<16xi32>], vector<16xf32>,
          %eq3A_150 = arith.constant 0 : i32
          %eq3A_151 = vector.broadcast %eq3A_150 : i32 to vector<16xi32>
          %eq3A_152 = arith.cmpi eq, %iota3A, %eq3A_151 : vector<16xi32>
          %eq3A_153 = arith.constant 1 : i32
          %eq3A_154 = vector.broadcast %eq3A_153 : i32 to vector<16xi32>
          %eq3A_155 = arith.cmpi eq, %iota3A, %eq3A_154 : vector<16xi32>
          %eq3A_156 = arith.constant 2 : i32
          %eq3A_157 = vector.broadcast %eq3A_156 : i32 to vector<16xi32>
          %eq3A_158 = arith.cmpi eq, %iota3A, %eq3A_157 : vector<16xi32>
          %eq3A_159 = arith.constant 3 : i32
          %eq3A_160 = vector.broadcast %eq3A_159 : i32 to vector<16xi32>
          %eq3A_161 = arith.cmpi eq, %iota3A, %eq3A_160 : vector<16xi32>
          %select_n3A_162 = arith.select %eq3A_161, %gather3A_147, %gather3A_148 : vector<16xi1>, vector<16xf32>
          %select_n3A_163 = arith.select %eq3A_158, %gather3A_146, %select_n3A_162 : vector<16xi1>, vector<16xf32>
          %select_n3A_164 = arith.select %eq3A_155, %gather3A_145, %select_n3A_163 : vector<16xi1>, vector<16xf32>
          %select_n3A_165 = arith.select %eq3A_152, %gather3A, %select_n3A_164 : vector<16xi1>, vector<16xf32>
          %lt3A_166 = arith.constant 5 : i32
          %lt3A_167 = vector.broadcast %lt3A_166 : i32 to vector<16xi32>
          %lt3A_168 = arith.cmpi slt, %iota3A, %lt3A_167 : vector<16xi32>
          %and3A_169 = arith.andi %lt3A_168, %gt3A_144 : vector<16xi1>
          %mul3A_170 = arith.constant 32 : i32
          %mul3A_171 = vector.broadcast %mul3A_170 : i32 to vector<16xi32>
          %mul3A_172 = arith.muli %iota3A, %mul3A_171 : vector<16xi32>
          %add3A_173 = vector.broadcast %add3A_116 : i32 to vector<16xi32>
          %add3A_174 = arith.addi %mul3A_172, %add3A_173 : vector<16xi32>
          %add3A_175 = arith.constant 176 : i32
          %add3A_176 = vector.broadcast %add3A_175 : i32 to vector<16xi32>
          %add3A_177 = arith.addi %add3A_176, %iota3A : vector<16xi32>
          %select_n3A_178 = arith.select %and3A_169, %add3A_174, %add3A_177 : vector<16xi1>, vector<16xi32>
          tpu.vector_store_idx %arg13[%select_n3A_178], %select_n3A_165 : memref<192xf32, #tpu.memory_space<vmem>>[vector<16xi32>], vector<16xf32>,
          %sub3A_179 = arith.constant 0 : i32
          %sub3A_180 = arith.subi %select_n3A, %sub3A_179 : i32
          %sub3A_181 = arith.constant 1 : i32
          %sub3A_182 = arith.constant 1 : i32
          %sub3A_183 = arith.subi %sub3A_181, %sub3A_182 : i32
          %add3A_184 = arith.addi %sub3A_180, %sub3A_183 : i32
          %div3A_185 = arith.constant 1 : i32
          %div3A_186 = arith.divsi %add3A_184, %div3A_185 : i32
          %while3A_187 = arith.constant 1 : i32
          %while3A_188 = arith.constant 0 : i32
          %while3A_189 = arith.constant 0 : i32
          %while3A_190 = arith.subi %div3A_186, %while3A_189 : i32
          %while3A_191 = arith.addi %while3A_189, %while3A_190 : i32
          %while3A_192 = arith.constant 1 : i32
          %while3A_193 = arith.divsi %while3A_190, %while3A_192 : i32
          %while3A_194 = arith.muli %while3A_193, %while3A_192 : i32
          %while3A_195 = arith.addi %while3A_189, %while3A_194 : i32
          %while3A_196 = arith.constant 1 : i32
          %while3A_197:2 = scf.for %while3A_200 = %while3A_189 to %while3A_195 step %while3A_196 iter_args(%while3A_201 = %broadcast_in_dim3A_7, %while3A_202 = %broadcast_in_dim3A_9) -> (vector<16xf32>, vector<16xi32>)  : i32 {
            %mul3A_203 = arith.muli %while3A_200, %while3A_187 : i32
            %add3A_204 = arith.addi %while3A_188, %mul3A_203 : i32
            %mul3A_205 = arith.constant 16 : i32
            %mul3A_206 = arith.muli %add3A_204, %mul3A_205 : i32
            %get3A = arith.index_cast %mul3A_206 : i32 to index
            %get3A_207 = tpu.vector_load %arg11[%get3A] {strides = array<i32>} : memref<5536xf32, #tpu.memory_space<vmem>>, vector<16xf32>,
            %get3A_208 = arith.index_cast %mul3A_206 : i32 to index
            %get3A_209 = tpu.vector_load %arg16[%get3A_208] {strides = array<i32>} : memref<5536xf32, #tpu.memory_space<vmem>>, vector<16xf32>,
            %get3A_210 = arith.index_cast %mul3A_206 : i32 to index
            %get3A_211 = tpu.vector_load %arg17[%get3A_210] {strides = array<i32>} : memref<5536xf32, #tpu.memory_space<vmem>>, vector<16xf32>,
            %get3A_212 = arith.index_cast %mul3A_206 : i32 to index
            %get3A_213 = tpu.vector_load %arg18[%get3A_212] {strides = array<i32>} : memref<5536xf32, #tpu.memory_space<vmem>>, vector<16xf32>,
            %get3A_214 = arith.index_cast %mul3A_206 : i32 to index
            %get3A_215 = tpu.vector_load %arg19[%get3A_214] {strides = array<i32>} : memref<5536xf32, #tpu.memory_space<vmem>>, vector<16xf32>,
            %get3A_216 = arith.index_cast %mul3A_206 : i32 to index
            %get3A_217 = tpu.vector_load %arg20[%get3A_216] {strides = array<i32>} : memref<5536xf32, #tpu.memory_space<vmem>>, vector<16xf32>,
            %max3A = arith.maximumf %gather3A_145, %get3A_209 : vector<16xf32>
            %max3A_218 = arith.maximumf %gather3A_146, %get3A_211 : vector<16xf32>
            %min3A = arith.minimumf %gather3A_147, %get3A_213 : vector<16xf32>
            %min3A_219 = arith.minimumf %gather3A_148, %get3A_215 : vector<16xf32>
            %sub3A_220 = arith.subf %min3A, %max3A : vector<16xf32>
            %max3A_221 = arith.constant 0.000000e+00 : f32
            %max3A_222 = vector.broadcast %max3A_221 : f32 to vector<16xf32>
            %max3A_223 = arith.maximumf %sub3A_220, %max3A_222 : vector<16xf32>
            %sub3A_224 = arith.subf %min3A_219, %max3A_218 : vector<16xf32>
            %max3A_225 = arith.constant 0.000000e+00 : f32
            %max3A_226 = vector.broadcast %max3A_225 : f32 to vector<16xf32>
            %max3A_227 = arith.maximumf %sub3A_224, %max3A_226 : vector<16xf32>
            %mul3A_228 = arith.mulf %max3A_223, %max3A_227 : vector<16xf32>
            %add3A_229 = arith.addf %gather3A_149, %get3A_217 : vector<16xf32>
            %sub3A_230 = arith.subf %add3A_229, %mul3A_228 : vector<16xf32>
            %add3A_231 = arith.constant 9.99999971E-10 : f32
            %add3A_232 = vector.broadcast %add3A_231 : f32 to vector<16xf32>
            %add3A_233 = arith.addf %sub3A_230, %add3A_232 : vector<16xf32>
            %div3A_234 = arith.divf %mul3A_228, %add3A_233 : vector<16xf32>
            %mul3A_235 = arith.constant 16 : i32
            %mul3A_236 = arith.muli %add3A_204, %mul3A_235 : i32
            %add3A_237 = vector.broadcast %mul3A_236 : i32 to vector<16xi32>
            %add3A_238 = arith.addi %add3A_237, %iota3A : vector<16xi32>
            %gt3A_239 = arith.constant 5.000000e-01 : f32
            %gt3A_240 = vector.broadcast %gt3A_239 : f32 to vector<16xf32>
            %gt3A_241 = arith.cmpf ogt, %div3A_234, %gt3A_240 : vector<16xf32>
            %eq3A_242 = arith.cmpi eq, %add3A_238, %neg3A_142 : vector<16xi32>
            %or3A = arith.ori %gt3A_241, %eq3A_242 : vector<16xi1>
            %and3A_243 = arith.andi %or3A, %gt3A_144 : vector<16xi1>
            %jit3A_244 = arith.constant 0.000000e+00 : f32
            %broadcast_in_dim3A_245 = vector.broadcast %jit3A_244 : f32 to vector<16xf32>
            %select_n3A_246 = arith.select %and3A_243, %broadcast_in_dim3A_245, %get3A_207 : vector<16xi1>, vector<16xf32>
            %swap3A_247 = arith.index_cast %mul3A_206 : i32 to index
            %swap3A_248 = tpu.vector_load %arg11[%swap3A_247] {strides = array<i32>} : memref<5536xf32, #tpu.memory_space<vmem>>, vector<16xf32>,
            tpu.vector_store %arg11[%swap3A_247], %select_n3A_246 {strides = array<i32>} : memref<5536xf32, #tpu.memory_space<vmem>>, vector<16xf32>,
            %gt3A_249 = arith.cmpf ogt, %select_n3A_246, %while3A_201 : vector<16xf32>
            %select_n3A_250 = arith.select %gt3A_249, %select_n3A_246, %while3A_201 : vector<16xi1>, vector<16xf32>
            %broadcast_in_dim3A_251 = vector.broadcast %add3A_204 : i32 to vector<16xi32>
            %select_n3A_252 = arith.select %gt3A_249, %broadcast_in_dim3A_251, %while3A_202 : vector<16xi1>, vector<16xi32>
            scf.yield %select_n3A_250, %select_n3A_252 : vector<16xf32>, vector<16xi32>
          }
          %while3A_198 = arith.constant 1 : i32
          %while3A_199:2 = scf.for %while3A_200 = %while3A_195 to %while3A_191 step %while3A_198 iter_args(%while3A_201 = %while3A_197#0, %while3A_202 = %while3A_197#1) -> (vector<16xf32>, vector<16xi32>)  : i32 {
            %mul3A_203 = arith.muli %while3A_200, %while3A_187 : i32
            %add3A_204 = arith.addi %while3A_188, %mul3A_203 : i32
            %mul3A_205 = arith.constant 16 : i32
            %mul3A_206 = arith.muli %add3A_204, %mul3A_205 : i32
            %get3A = arith.index_cast %mul3A_206 : i32 to index
            %get3A_207 = tpu.vector_load %arg11[%get3A] {strides = array<i32>} : memref<5536xf32, #tpu.memory_space<vmem>>, vector<16xf32>,
            %get3A_208 = arith.index_cast %mul3A_206 : i32 to index
            %get3A_209 = tpu.vector_load %arg16[%get3A_208] {strides = array<i32>} : memref<5536xf32, #tpu.memory_space<vmem>>, vector<16xf32>,
            %get3A_210 = arith.index_cast %mul3A_206 : i32 to index
            %get3A_211 = tpu.vector_load %arg17[%get3A_210] {strides = array<i32>} : memref<5536xf32, #tpu.memory_space<vmem>>, vector<16xf32>,
            %get3A_212 = arith.index_cast %mul3A_206 : i32 to index
            %get3A_213 = tpu.vector_load %arg18[%get3A_212] {strides = array<i32>} : memref<5536xf32, #tpu.memory_space<vmem>>, vector<16xf32>,
            %get3A_214 = arith.index_cast %mul3A_206 : i32 to index
            %get3A_215 = tpu.vector_load %arg19[%get3A_214] {strides = array<i32>} : memref<5536xf32, #tpu.memory_space<vmem>>, vector<16xf32>,
            %get3A_216 = arith.index_cast %mul3A_206 : i32 to index
            %get3A_217 = tpu.vector_load %arg20[%get3A_216] {strides = array<i32>} : memref<5536xf32, #tpu.memory_space<vmem>>, vector<16xf32>,
            %max3A = arith.maximumf %gather3A_145, %get3A_209 : vector<16xf32>
            %max3A_218 = arith.maximumf %gather3A_146, %get3A_211 : vector<16xf32>
            %min3A = arith.minimumf %gather3A_147, %get3A_213 : vector<16xf32>
            %min3A_219 = arith.minimumf %gather3A_148, %get3A_215 : vector<16xf32>
            %sub3A_220 = arith.subf %min3A, %max3A : vector<16xf32>
            %max3A_221 = arith.constant 0.000000e+00 : f32
            %max3A_222 = vector.broadcast %max3A_221 : f32 to vector<16xf32>
            %max3A_223 = arith.maximumf %sub3A_220, %max3A_222 : vector<16xf32>
            %sub3A_224 = arith.subf %min3A_219, %max3A_218 : vector<16xf32>
            %max3A_225 = arith.constant 0.000000e+00 : f32
            %max3A_226 = vector.broadcast %max3A_225 : f32 to vector<16xf32>
            %max3A_227 = arith.maximumf %sub3A_224, %max3A_226 : vector<16xf32>
            %mul3A_228 = arith.mulf %max3A_223, %max3A_227 : vector<16xf32>
            %add3A_229 = arith.addf %gather3A_149, %get3A_217 : vector<16xf32>
            %sub3A_230 = arith.subf %add3A_229, %mul3A_228 : vector<16xf32>
            %add3A_231 = arith.constant 9.99999971E-10 : f32
            %add3A_232 = vector.broadcast %add3A_231 : f32 to vector<16xf32>
            %add3A_233 = arith.addf %sub3A_230, %add3A_232 : vector<16xf32>
            %div3A_234 = arith.divf %mul3A_228, %add3A_233 : vector<16xf32>
            %mul3A_235 = arith.constant 16 : i32
            %mul3A_236 = arith.muli %add3A_204, %mul3A_235 : i32
            %add3A_237 = vector.broadcast %mul3A_236 : i32 to vector<16xi32>
            %add3A_238 = arith.addi %add3A_237, %iota3A : vector<16xi32>
            %gt3A_239 = arith.constant 5.000000e-01 : f32
            %gt3A_240 = vector.broadcast %gt3A_239 : f32 to vector<16xf32>
            %gt3A_241 = arith.cmpf ogt, %div3A_234, %gt3A_240 : vector<16xf32>
            %eq3A_242 = arith.cmpi eq, %add3A_238, %neg3A_142 : vector<16xi32>
            %or3A = arith.ori %gt3A_241, %eq3A_242 : vector<16xi1>
            %and3A_243 = arith.andi %or3A, %gt3A_144 : vector<16xi1>
            %jit3A_244 = arith.constant 0.000000e+00 : f32
            %broadcast_in_dim3A_245 = vector.broadcast %jit3A_244 : f32 to vector<16xf32>
            %select_n3A_246 = arith.select %and3A_243, %broadcast_in_dim3A_245, %get3A_207 : vector<16xi1>, vector<16xf32>
            %swap3A_247 = arith.index_cast %mul3A_206 : i32 to index
            %swap3A_248 = tpu.vector_load %arg11[%swap3A_247] {strides = array<i32>} : memref<5536xf32, #tpu.memory_space<vmem>>, vector<16xf32>,
            tpu.vector_store %arg11[%swap3A_247], %select_n3A_246 {strides = array<i32>} : memref<5536xf32, #tpu.memory_space<vmem>>, vector<16xf32>,
            %gt3A_249 = arith.cmpf ogt, %select_n3A_246, %while3A_201 : vector<16xf32>
            %select_n3A_250 = arith.select %gt3A_249, %select_n3A_246, %while3A_201 : vector<16xi1>, vector<16xf32>
            %broadcast_in_dim3A_251 = vector.broadcast %add3A_204 : i32 to vector<16xi32>
            %select_n3A_252 = arith.select %gt3A_249, %broadcast_in_dim3A_251, %while3A_202 : vector<16xi1>, vector<16xi32>
            scf.yield %select_n3A_250, %select_n3A_252 : vector<16xf32>, vector<16xi32>
          }
          scf.yield %while3A_199#0, %while3A_199#1 : vector<16xf32>, vector<16xi32>
        }
        %scan3A_107 = arith.constant 20 : i32
        %mul3A_108 = arith.constant 160 : i32
        %mul3A_109 = arith.muli %add3A_21, %mul3A_108 : i32
        "tpu.region"() ({
          %run_scoped3A = tpu.sem_alloc : memref<!tpu.dma_semaphore, #tpu.memory_space<semaphore_mem>>
          %dma_start3A = arith.constant 0 : i32
          %dma_start3A_110 = tpu.memref_slice %arg13[%dma_start3A] : memref<192xf32, #tpu.memory_space<vmem>> -> memref<160xf32, #tpu.memory_space<vmem>>
          %dma_start3A_111 = tpu.memref_slice %arg4[%mul3A_109] : memref<12800xf32, #tpu.memory_space<hbm>> -> memref<160xf32, #tpu.memory_space<hbm>>
          %dma_start3A_112 = tpu.memref_slice %arg4[%mul3A_109] : memref<12800xf32, #tpu.memory_space<hbm>> -> memref<160xf32, #tpu.memory_space<hbm>>
          %dma_start3A_113 = arith.constant 0 : i32
          %dma_start3A_114 = tpu.memref_slice %arg13[%dma_start3A_113] : memref<192xf32, #tpu.memory_space<vmem>> -> memref<160xf32, #tpu.memory_space<vmem>>
          tpu.enqueue_dma source(%dma_start3A_114 : memref<160xf32, #tpu.memory_space<vmem>>) target(%dma_start3A_112 : memref<160xf32, #tpu.memory_space<hbm>>) target_semaphore(%run_scoped3A : memref<!tpu.dma_semaphore, #tpu.memory_space<semaphore_mem>>)
          %dma_wait3A = arith.constant 0 : i32
          %dma_wait3A_115 = tpu.memref_slice %arg13[%dma_wait3A] : memref<192xf32, #tpu.memory_space<vmem>> -> memref<160xf32, #tpu.memory_space<vmem>>
          %dma_wait3A_116 = tpu.memref_slice %arg4[%mul3A_109] : memref<12800xf32, #tpu.memory_space<hbm>> -> memref<160xf32, #tpu.memory_space<hbm>>
          %dma_wait3A_117 = tpu.memref_slice %arg4[%mul3A_109] : memref<12800xf32, #tpu.memory_space<hbm>> -> memref<160xf32, #tpu.memory_space<hbm>>
          %dma_wait3A_118 = arith.constant 0 : i32
          %dma_wait3A_119 = tpu.memref_slice %arg13[%dma_wait3A_118] : memref<192xf32, #tpu.memory_space<vmem>> -> memref<160xf32, #tpu.memory_space<vmem>>
          tpu.wait_dma2 semaphore(%run_scoped3A : memref<!tpu.dma_semaphore, #tpu.memory_space<semaphore_mem>>) src(%dma_wait3A_119 : memref<160xf32, #tpu.memory_space<vmem>>) dst(%dma_wait3A_117 : memref<160xf32, #tpu.memory_space<hbm>>)
          tpu.yield
        }) : () -> ()
      } else {
      }
    }
    %scan3A_13 = arith.constant 3 : i32
    return
  }
}

module attributes {stable_mosaic.version = 14 : i64} {
  func.func @_decode_body(%arg0: memref<85x5504xf32, #tpu.memory_space<vmem>>, %arg1: memref<5x5504xf32, #tpu.memory_space<vmem>>, %arg2: memref<80x5504xf32, #tpu.memory_space<vmem>>, %arg3: memref<5x5504xf32, #tpu.memory_space<vmem>>) attributes {dimension_semantics = [], scalar_prefetch = 0 : i64, scratch_operands = 0 : i64, tpu.core_type = #tpu.core_type<tc>} {
    %get3A = arith.constant 0 : index
    %get3A_0 = arith.constant 0 : index
    %get3A_1 = vector.load %arg0[%get3A, %get3A_0] : memref<85x5504xf32, #tpu.memory_space<vmem>>, vector<1x5504xf32>
    %get3A_2 = arith.constant 1 : index
    %get3A_3 = arith.constant 0 : index
    %get3A_4 = vector.load %arg0[%get3A_2, %get3A_3] : memref<85x5504xf32, #tpu.memory_space<vmem>>, vector<1x5504xf32>
    %get3A_5 = arith.constant 2 : index
    %get3A_6 = arith.constant 0 : index
    %get3A_7 = vector.load %arg0[%get3A_5, %get3A_6] : memref<85x5504xf32, #tpu.memory_space<vmem>>, vector<1x5504xf32>
    %get3A_8 = arith.constant 3 : index
    %get3A_9 = arith.constant 0 : index
    %get3A_10 = vector.load %arg0[%get3A_8, %get3A_9] : memref<85x5504xf32, #tpu.memory_space<vmem>>, vector<1x5504xf32>
    %get3A_11 = arith.constant 4 : index
    %get3A_12 = arith.constant 0 : index
    %get3A_13 = vector.load %arg0[%get3A_11, %get3A_12] : memref<85x5504xf32, #tpu.memory_space<vmem>>, vector<1x5504xf32>
    %get3A_14 = arith.constant 5 : index
    %get3A_15 = arith.constant 0 : index
    %get3A_16 = vector.load %arg0[%get3A_14, %get3A_15] : memref<85x5504xf32, #tpu.memory_space<vmem>>, vector<80x5504xf32>
    %get3A_17 = arith.constant 0 : index
    %get3A_18 = arith.constant 0 : index
    %get3A_19 = vector.load %arg1[%get3A_17, %get3A_18] : memref<5x5504xf32, #tpu.memory_space<vmem>>, vector<1x5504xf32>
    %get3A_20 = arith.constant 1 : index
    %get3A_21 = arith.constant 0 : index
    %get3A_22 = vector.load %arg1[%get3A_20, %get3A_21] : memref<5x5504xf32, #tpu.memory_space<vmem>>, vector<1x5504xf32>
    %get3A_23 = arith.constant 2 : index
    %get3A_24 = arith.constant 0 : index
    %get3A_25 = vector.load %arg1[%get3A_23, %get3A_24] : memref<5x5504xf32, #tpu.memory_space<vmem>>, vector<1x5504xf32>
    %get3A_26 = arith.constant 3 : index
    %get3A_27 = arith.constant 0 : index
    %get3A_28 = vector.load %arg1[%get3A_26, %get3A_27] : memref<5x5504xf32, #tpu.memory_space<vmem>>, vector<1x5504xf32>
    %get3A_29 = arith.constant 4 : index
    %get3A_30 = arith.constant 0 : index
    %get3A_31 = vector.load %arg1[%get3A_29, %get3A_30] : memref<5x5504xf32, #tpu.memory_space<vmem>>, vector<1x5504xf32>
    %neg3A = arith.constant 0.000000e+00 : f32
    %neg3A_32 = vector.broadcast %neg3A : f32 to vector<1x5504xf32>
    %neg3A_33 = arith.subf %neg3A_32, %get3A_1 : vector<1x5504xf32>
    %exp3A = math.exp %neg3A_33 : vector<1x5504xf32>
    %add3A = arith.constant 1.000000e+00 : f32
    %add3A_34 = vector.broadcast %add3A : f32 to vector<1x5504xf32>
    %add3A_35 = arith.addf %add3A_34, %exp3A : vector<1x5504xf32>
    %div3A = arith.constant 1.000000e+00 : f32
    %div3A_36 = vector.broadcast %div3A : f32 to vector<1x5504xf32>
    %div3A_37 = arith.divf %div3A_36, %add3A_35 : vector<1x5504xf32>
    %add3A_38 = arith.addf %div3A_37, %get3A_19 : vector<1x5504xf32>
    %div3A_39 = arith.divf %add3A_38, %get3A_25 : vector<1x5504xf32>
    %neg3A_40 = arith.constant 0.000000e+00 : f32
    %neg3A_41 = vector.broadcast %neg3A_40 : f32 to vector<1x5504xf32>
    %neg3A_42 = arith.subf %neg3A_41, %get3A_4 : vector<1x5504xf32>
    %exp3A_43 = math.exp %neg3A_42 : vector<1x5504xf32>
    %add3A_44 = arith.constant 1.000000e+00 : f32
    %add3A_45 = vector.broadcast %add3A_44 : f32 to vector<1x5504xf32>
    %add3A_46 = arith.addf %add3A_45, %exp3A_43 : vector<1x5504xf32>
    %div3A_47 = arith.constant 1.000000e+00 : f32
    %div3A_48 = vector.broadcast %div3A_47 : f32 to vector<1x5504xf32>
    %div3A_49 = arith.divf %div3A_48, %add3A_46 : vector<1x5504xf32>
    %add3A_50 = arith.addf %div3A_49, %get3A_22 : vector<1x5504xf32>
    %div3A_51 = arith.divf %add3A_50, %get3A_25 : vector<1x5504xf32>
    %exp3A_52 = math.exp %get3A_7 : vector<1x5504xf32>
    %mul3A = arith.mulf %exp3A_52, %get3A_28 : vector<1x5504xf32>
    %div3A_53 = arith.constant 6.080000e+02 : f32
    %div3A_54 = vector.broadcast %div3A_53 : f32 to vector<1x5504xf32>
    %div3A_55 = arith.divf %mul3A, %div3A_54 : vector<1x5504xf32>
    %exp3A_56 = math.exp %get3A_10 : vector<1x5504xf32>
    %mul3A_57 = arith.mulf %exp3A_56, %get3A_31 : vector<1x5504xf32>
    %div3A_58 = arith.constant 6.080000e+02 : f32
    %div3A_59 = vector.broadcast %div3A_58 : f32 to vector<1x5504xf32>
    %div3A_60 = arith.divf %mul3A_57, %div3A_59 : vector<1x5504xf32>
    %sub3A = arith.constant 2.187500e-01 : f32
    %sub3A_61 = vector.broadcast %sub3A : f32 to vector<1x5504xf32>
    %sub3A_62 = arith.subf %div3A_51, %sub3A_61 : vector<1x5504xf32>
    %mul3A_63 = arith.constant 1.77777779 : f32
    %mul3A_64 = vector.broadcast %mul3A_63 : f32 to vector<1x5504xf32>
    %mul3A_65 = arith.mulf %sub3A_62, %mul3A_64 : vector<1x5504xf32>
    %sub3A_66 = arith.constant 0.000000e+00 : f32
    %sub3A_67 = vector.broadcast %sub3A_66 : f32 to vector<1x5504xf32>
    %sub3A_68 = arith.subf %div3A_39, %sub3A_67 : vector<1x5504xf32>
    %mul3A_69 = arith.constant 1.000000e+00 : f32
    %mul3A_70 = vector.broadcast %mul3A_69 : f32 to vector<1x5504xf32>
    %mul3A_71 = arith.mulf %sub3A_68, %mul3A_70 : vector<1x5504xf32>
    %mul3A_72 = arith.constant 1.77777779 : f32
    %mul3A_73 = vector.broadcast %mul3A_72 : f32 to vector<1x5504xf32>
    %mul3A_74 = arith.mulf %div3A_60, %mul3A_73 : vector<1x5504xf32>
    %mul3A_75 = arith.constant 1.000000e+00 : f32
    %mul3A_76 = vector.broadcast %mul3A_75 : f32 to vector<1x5504xf32>
    %mul3A_77 = arith.mulf %div3A_55, %mul3A_76 : vector<1x5504xf32>
    %div3A_78 = arith.constant 2.000000e+00 : f32
    %div3A_79 = vector.broadcast %div3A_78 : f32 to vector<1x5504xf32>
    %div3A_80 = arith.divf %mul3A_74, %div3A_79 : vector<1x5504xf32>
    %sub3A_81 = arith.subf %mul3A_65, %div3A_80 : vector<1x5504xf32>
    %mul3A_82 = arith.constant 7.200000e+02 : f32
    %mul3A_83 = vector.broadcast %mul3A_82 : f32 to vector<1x5504xf32>
    %mul3A_84 = arith.mulf %sub3A_81, %mul3A_83 : vector<1x5504xf32>
    %div3A_85 = arith.constant 2.000000e+00 : f32
    %div3A_86 = vector.broadcast %div3A_85 : f32 to vector<1x5504xf32>
    %div3A_87 = arith.divf %mul3A_77, %div3A_86 : vector<1x5504xf32>
    %sub3A_88 = arith.subf %mul3A_71, %div3A_87 : vector<1x5504xf32>
    %mul3A_89 = arith.constant 1.280000e+03 : f32
    %mul3A_90 = vector.broadcast %mul3A_89 : f32 to vector<1x5504xf32>
    %mul3A_91 = arith.mulf %sub3A_88, %mul3A_90 : vector<1x5504xf32>
    %div3A_92 = arith.constant 2.000000e+00 : f32
    %div3A_93 = vector.broadcast %div3A_92 : f32 to vector<1x5504xf32>
    %div3A_94 = arith.divf %mul3A_74, %div3A_93 : vector<1x5504xf32>
    %add3A_95 = arith.addf %mul3A_65, %div3A_94 : vector<1x5504xf32>
    %mul3A_96 = arith.constant 7.200000e+02 : f32
    %mul3A_97 = vector.broadcast %mul3A_96 : f32 to vector<1x5504xf32>
    %mul3A_98 = arith.mulf %add3A_95, %mul3A_97 : vector<1x5504xf32>
    %div3A_99 = arith.constant 2.000000e+00 : f32
    %div3A_100 = vector.broadcast %div3A_99 : f32 to vector<1x5504xf32>
    %div3A_101 = arith.divf %mul3A_77, %div3A_100 : vector<1x5504xf32>
    %add3A_102 = arith.addf %mul3A_71, %div3A_101 : vector<1x5504xf32>
    %mul3A_103 = arith.constant 1.280000e+03 : f32
    %mul3A_104 = vector.broadcast %mul3A_103 : f32 to vector<1x5504xf32>
    %mul3A_105 = arith.mulf %add3A_102, %mul3A_104 : vector<1x5504xf32>
    %sub3A_106 = arith.subf %mul3A_98, %mul3A_84 : vector<1x5504xf32>
    %sub3A_107 = arith.subf %mul3A_105, %mul3A_91 : vector<1x5504xf32>
    %mul3A_108 = arith.mulf %sub3A_106, %sub3A_107 : vector<1x5504xf32>
    %neg3A_109 = arith.constant 0.000000e+00 : f32
    %neg3A_110 = vector.broadcast %neg3A_109 : f32 to vector<1x5504xf32>
    %neg3A_111 = arith.subf %neg3A_110, %get3A_13 : vector<1x5504xf32>
    %exp3A_112 = math.exp %neg3A_111 : vector<1x5504xf32>
    %add3A_113 = arith.constant 1.000000e+00 : f32
    %add3A_114 = vector.broadcast %add3A_113 : f32 to vector<1x5504xf32>
    %add3A_115 = arith.addf %add3A_114, %exp3A_112 : vector<1x5504xf32>
    %div3A_116 = arith.constant 1.000000e+00 : f32
    %div3A_117 = vector.broadcast %div3A_116 : f32 to vector<1x5504xf32>
    %div3A_118 = arith.divf %div3A_117, %add3A_115 : vector<1x5504xf32>
    %neg3A_119 = arith.constant 0.000000e+00 : f32
    %neg3A_120 = vector.broadcast %neg3A_119 : f32 to vector<80x5504xf32>
    %neg3A_121 = arith.subf %neg3A_120, %get3A_16 : vector<80x5504xf32>
    %exp3A_122 = math.exp %neg3A_121 : vector<80x5504xf32>
    %add3A_123 = arith.constant 1.000000e+00 : f32
    %add3A_124 = vector.broadcast %add3A_123 : f32 to vector<80x5504xf32>
    %add3A_125 = arith.addf %add3A_124, %exp3A_122 : vector<80x5504xf32>
    %div3A_126 = arith.constant 1.000000e+00 : f32
    %div3A_127 = vector.broadcast %div3A_126 : f32 to vector<80x5504xf32>
    %div3A_128 = arith.divf %div3A_127, %add3A_125 : vector<80x5504xf32>
    %mul3A_129 = vector.broadcast %div3A_118 : vector<1x5504xf32> to vector<80x5504xf32>
    %mul3A_130 = arith.mulf %mul3A_129, %div3A_128 : vector<80x5504xf32>
    %ge3A = arith.constant 6.000000e-01 : f32
    %ge3A_131 = vector.broadcast %ge3A : f32 to vector<80x5504xf32>
    %ge3A_132 = arith.cmpf oge, %mul3A_130, %ge3A_131 : vector<80x5504xf32>
    %jit3A = arith.constant 0.000000e+00 : f32
    %broadcast_in_dim3A = vector.broadcast %jit3A : f32 to vector<80x5504xf32>
    %select_n3A = arith.select %ge3A_132, %mul3A_130, %broadcast_in_dim3A : vector<80x5504xi1>, vector<80x5504xf32>
    %swap3A = arith.constant 0 : index
    %swap3A_133 = arith.constant 0 : index
    %swap3A_134 = vector.load %arg2[%swap3A, %swap3A_133] : memref<80x5504xf32, #tpu.memory_space<vmem>>, vector<80x5504xf32>
    tpu.vector_store %arg2[%swap3A, %swap3A_133], %select_n3A {strides = array<i32>} : memref<80x5504xf32, #tpu.memory_space<vmem>>, vector<80x5504xf32>,
    %swap3A_135 = arith.constant 0 : index
    %swap3A_136 = arith.constant 0 : index
    %swap3A_137 = vector.load %arg3[%swap3A_135, %swap3A_136] : memref<5x5504xf32, #tpu.memory_space<vmem>>, vector<1x5504xf32>
    tpu.vector_store %arg3[%swap3A_135, %swap3A_136], %mul3A_84 {strides = array<i32>} : memref<5x5504xf32, #tpu.memory_space<vmem>>, vector<1x5504xf32>,
    %swap3A_138 = arith.constant 1 : index
    %swap3A_139 = arith.constant 0 : index
    %swap3A_140 = vector.load %arg3[%swap3A_138, %swap3A_139] : memref<5x5504xf32, #tpu.memory_space<vmem>>, vector<1x5504xf32>
    tpu.vector_store %arg3[%swap3A_138, %swap3A_139], %mul3A_91 {strides = array<i32>} : memref<5x5504xf32, #tpu.memory_space<vmem>>, vector<1x5504xf32>,
    %swap3A_141 = arith.constant 2 : index
    %swap3A_142 = arith.constant 0 : index
    %swap3A_143 = vector.load %arg3[%swap3A_141, %swap3A_142] : memref<5x5504xf32, #tpu.memory_space<vmem>>, vector<1x5504xf32>
    tpu.vector_store %arg3[%swap3A_141, %swap3A_142], %mul3A_98 {strides = array<i32>} : memref<5x5504xf32, #tpu.memory_space<vmem>>, vector<1x5504xf32>,
    %swap3A_144 = arith.constant 3 : index
    %swap3A_145 = arith.constant 0 : index
    %swap3A_146 = vector.load %arg3[%swap3A_144, %swap3A_145] : memref<5x5504xf32, #tpu.memory_space<vmem>>, vector<1x5504xf32>
    tpu.vector_store %arg3[%swap3A_144, %swap3A_145], %mul3A_105 {strides = array<i32>} : memref<5x5504xf32, #tpu.memory_space<vmem>>, vector<1x5504xf32>,
    %swap3A_147 = arith.constant 4 : index
    %swap3A_148 = arith.constant 0 : index
    %swap3A_149 = vector.load %arg3[%swap3A_147, %swap3A_148] : memref<5x5504xf32, #tpu.memory_space<vmem>>, vector<1x5504xf32>
    tpu.vector_store %arg3[%swap3A_147, %swap3A_148], %mul3A_108 {strides = array<i32>} : memref<5x5504xf32, #tpu.memory_space<vmem>>, vector<1x5504xf32>,
    return
  }
}

</mosaic_0001>

<sc_bundles>
// kernel: kernel.4.cloned.1.call-start
scs
__scs_entry_jumppad:
0x0: {  	(pc) =	sbr.rel $0x88, $3  }
0x1: {  	(tag) =	ssettag $0x0;
	lr =	simm.s32 $0x1  }
0x2: {  	[smem:$0x3F9F] =	sst lr;
	_ =	strace $0xD0000000  }
0x3: {  	_ = 	snop  }
0x4: {  	_ = 	snop  }
0x5: {  	_ = 	snop  }
0x6: {  	_ = 	snop  }
0x7: {  	_ = 	snop  }
__scs_overlays_trampoline_lowered:
0x8: {  	[smem:$0x3FAE] =	sst s0  }
0x9: {  	[smem:$0x3FAF] =	sst s1  }
0xa: {  	[smem:$0x3FB0] =	sst s2  }
0xb: {  	[smem:$0x3FB1] =	sst s3  }
0xc: {  	[smem:$0x3FB2] =	sst s4  }
0xd: {  	[smem:$0x3FB3] =	sst s5  }
0xe: {  	[smem:$0x3FB4] =	sst s6  }
0xf: {  	[smem:$0x3FB5] =	sst s7  }
0x10: {  	[smem:$0x3FB6] =	sst s8  }
0x11: {  	[smem:$0x3FB7] =	sst s9;
	s0 =	simm.s32 @!p0 $0x0  }
0x12: {  	s1 =	sld [smem:$0x3F9D];
	s0 =	simm.s32 @p0 $0x1  }
0x13: {  	[smem:$0x3FB8] =	sst s0;
	s0 =	simm.s32 @!p1 $0x0  }
0x14: {  	s2 =	sld [smem:$0x3F9C];
	s0 =	simm.s32 @p1 $0x1  }
0x15: {  	[smem:$0x3FB9] =	sst s0;
	s0 =	simm.s32 @!p2 $0x0  }
0x16: {  	s3 =	sld [smem:$0x3FDB];
	s0 =	simm.s32 @p2 $0x1  }
0x17: {  	s4 =	simm.s32 $0x1BF5;
	[smem:$0x3FBB] =	sst s0  }
0x18: {  	s0 =	sld [smem:$0x3F9E];
	_ =	swait.ge [sflag:s4], $0x0  }
0x19: {  	s7 =	sld [smem:$0x3F9F]  }
0x1a: {  	s8 =	sadd.s32 $0xFFFFE003, lr  }
0x1b: {  	s9 =	sadd.s32 $0xFFFFFEF7, lr;
	s5 =	simm.s32 $0xFFFFFFFF;
	p2 =	slt.u32 s8, $0xFFFFF086  }
0x1c: {  	p1 =	slt.u32 s9, $0xF7A;
	s5 =	simm.s32 @!p2 $0x0  }
0x1d: {  	s5 =	simm.s32 @p1 $0x1;
	p0 =	seq.s32 s7, s2  }
0x1e: {  	s7 =	smul.u32 @!p0 $0xF7A, s2;
	p2 =	seq.s32 @!p0 s5, $0x0  }
0x1f: {  	s9 =	smul.u32 $0xF7A, s1;
	s8 =	simm.s32 @!p0 $0x1BF5;
	p2 =	por !p2, p0  }
0x20: {  	[sflag:s8] =	ssyncset.s32 @!p0 $0xFFFFF086;
	s6 =	sadd.s32 @!p0 s3, s7;
	s7 =	simm.s32 @!p0 $0x108  }
0x21: {  	s3 =	sadd.s32 s3, s9;
	s6 =	sadd.s32 @!p0 $0x88, s6;
	s7 =	simm.s32 @p2 $0x1082  }
0x22: {  	[simem:s7], [sflag:s8] =	dma.local @!p0 [hbm:s6], $0xF7A  }
0x23: {  	s9 =	sor.u32 $0xD0000000, s2;
	s6 =	simm.s32 $0x108;
	_ =	swait.ge @!p0 [sflag:s8], $0x0  }
0x24: {  	s3 =	sadd.s32 $0x88, s3;
	s6 =	simm.s32 @!p1 $0x1082;
	[sflag:s4] =	ssyncset.s32 $0xFFFFF086  }
0x25: {  	[simem:s6], [sflag:s4] =	dma.local [hbm:s3], $0xF7A  }
0x26: {  	[smem:$0x3F9F] =	sst s1;
	(tag) =	ssettag s2;
	_ =	strace s9  }
0x27: {  	s1 =	sld [smem:$0x3FAF]  }
0x28: {  	s2 =	sld [smem:$0x3FB0]  }
0x29: {  	s4 =	sld [smem:$0x3FB2]  }
0x2a: {  	p0 =	seq.s32 s5, $0x0;
	s5 =	sld [smem:$0x3FB3]  }
0x2b: {  	s6 =	sld [smem:$0x3FB4]  }
0x2c: {  	s7 =	sld [smem:$0x3FB5]  }
0x2d: {  	s3 =	simm.s32 $0x108;
	s8 =	sld [smem:$0x3FB6]  }
0x2e: {  	s3 =	simm.s32 @!p0 $0x1082;
	s9 =	sld [smem:$0x3FB7]  }
0x2f: {  	lr =	sadd.s32 s0, s3;
	s0 =	sld [smem:$0x3FAE]  }
0x30: {  	s3 =	sld [smem:$0x3FB1]  }
0x31: {  	[smem:$0x3FBA] =	sst s10  }
0x32: {  	s10 =	sld [smem:$0x3FB8];
	_ =	sdelay $0x3  }
0x33: {  	p0 =	seq.s32 s10, $0x1;
	s10 =	sld [smem:$0x3FBA];
	_ =	sdelay $0x3  }
0x34: {  	[smem:$0x3FBA] =	sst s10  }
0x35: {  	s10 =	sld [smem:$0x3FB9];
	_ =	sdelay $0x3  }
0x36: {  	p1 =	seq.s32 s10, $0x1;
	s10 =	sld [smem:$0x3FBA];
	_ =	sdelay $0x3  }
0x37: {  	[smem:$0x3FBA] =	sst s10  }
0x38: {  	s10 =	sld [smem:$0x3FBB]  }
0x39: {  	_ = 	snop;
	(pc) =	sbr.ind lr, $3  }
0x3a: {  	_ = 	snop  }
0x3b: {  	_ = 	snop  }
0x3c: {  	p2 =	seq.s32 s10, $0x1;
	s10 =	sld [smem:$0x3FBA]  }
0x3d: {  	_ =	shalt  }
0x3e: {  	_ =	shalt  }
0x3f: {  	_ =	shalt  }
0x40: {  	_ =	shalt  }
0x41: {  	_ =	shalt  }
0x42: {  	_ =	shalt  }
0x43: {  	_ =	shalt  }
0x44: {  	_ =	shalt  }
0x45: {  	_ =	shalt  }
0x46: {  	_ =	shalt  }
0x47: {  	_ =	shalt  }
0x48: {  	_ =	shalt  }
0x49: {  	_ =	shalt  }
0x4a: {  	_ =	shalt  }
0x4b: {  	_ =	shalt  }
0x4c: {  	_ =	shalt  }
0x4d: {  	_ =	shalt  }
0x4e: {  	_ =	shalt  }
0x4f: {  	_ =	shalt  }
0x50: {  	_ =	shalt  }
0x51: {  	_ =	shalt  }
0x52: {  	_ =	shalt  }
0x53: {  	_ =	shalt  }
0x54: {  	_ =	shalt  }
0x55: {  	_ =	shalt  }
0x56: {  	_ =	shalt  }
0x57: {  	_ =	shalt  }
0x58: {  	_ =	shalt  }
0x59: {  	_ =	shalt  }
0x5a: {  	_ =	shalt  }
0x5b: {  	_ =	shalt  }
0x5c: {  	_ =	shalt  }
0x5d: {  	_ =	shalt  }
0x5e: {  	_ =	shalt  }
0x5f: {  	_ =	shalt  }
0x60: {  	_ =	shalt  }
0x61: {  	_ =	shalt  }
0x62: {  	_ =	shalt  }
0x63: {  	_ =	shalt  }
0x64: {  	_ =	shalt  }
0x65: {  	_ =	shalt  }
0x66: {  	_ =	shalt  }
0x67: {  	_ =	shalt  }
0x68: {  	_ =	shalt  }
0x69: {  	_ =	shalt  }
0x6a: {  	_ =	shalt  }
0x6b: {  	_ =	shalt  }
0x6c: {  	_ =	shalt  }
0x6d: {  	_ =	shalt  }
0x6e: {  	_ =	shalt  }
0x6f: {  	_ =	shalt  }
0x70: {  	_ =	shalt  }
0x71: {  	_ =	shalt  }
0x72: {  	_ =	shalt  }
0x73: {  	_ =	shalt  }
0x74: {  	_ =	shalt  }
0x75: {  	_ =	shalt  }
0x76: {  	_ =	shalt  }
0x77: {  	_ =	shalt  }
0x78: {  	_ =	shalt  }
0x79: {  	_ =	shalt  }
0x7a: {  	_ =	shalt  }
0x7b: {  	_ =	shalt  }
0x7c: {  	_ =	shalt  }
0x7d: {  	_ =	shalt  }
0x7e: {  	_ =	shalt  }
0x7f: {  	_ =	shalt  }
0x80: {  	_ =	shalt  }
0x81: {  	_ =	shalt  }
0x82: {  	_ =	shalt  }
0x83: {  	_ =	shalt  }
0x84: {  	_ =	shalt  }
0x85: {  	_ =	shalt  }
0x86: {  	_ =	shalt  }
0x87: {  	_ =	shalt  }
.Lfunc_end0:
.L_simem_size_0:
called_computation_lowered:
.L_overlay_start_0:
0x88: {  	s2 =	sld [smem:$0x3FD9]  }
0x89: {  	s3 =	sld [smem:$0x3FFE];
	_ =	sdelay $0x1  }
0x8a: {  	s1 =	srdreg.scid  }
0x8b: {  	s0 =	sand.u32 $0x1, s1  }
0x8c: {  	s16 =	sshll.u32 s0, $0xA;
	s2 =	sadd.s32 s3, s2  }
0x8d: {  	s2 =	sadd.s32 s2, s16  }
0x8e: {  	[smem:$0x3FC6] =	sst s2  }
0x8f: {  	_ = 	snop  }
0x90: {  	(tm) =	ssettm $0x1  }
0x91: {  	s17 =	sld [smem:$0x3FFB];
	_ =	sdelay $0x3  }
0x92: {  	_ =	strace s17  }
0x93: {  	s2 =	sld [smem:$0x3FFC];
	_ =	sdelay $0x3  }
0x94: {  	_ =	strace s2  }
0x95: {  	s2 =	sld [smem:$0x3FFD];
	_ =	sdelay $0x3  }
0x96: {  	_ =	strace s2  }
0x97: {  	_ =	strace $0x8FFFFFFF  }
0x98: {  	s18 =	sld [smem:$0x3FDB];
	_ =	sdelay $0x1  }
0x99: {  	s19 =	simm.s32 $_scs_section_size  }
0x9a: {  	s4 =	simm.s32 $_size__tile_overlayer_lowered;
	s5 =	simm.s32 $_tile_overlayer_lowered  }
0x9b: {  	s22 =	simm.s32 $0x1BFF;
	s21 =	sshll.u32 s5, $0x1;
	s2 =	sadd.s32 s19, s18  }
0x9c: {  	s6 =	simm.s32 $0x0;
	s20 =	sshll.u32 s4, $0x1;
	s4 =	sadd.s32 s21, s2  }
0x9d: {  	[timem:s6], [sflag:s22] =	dma.local [hbm:s4], s20  }
0x9e: {  	_ =	swait.ge [sflag:s22], s20  }
0x9f: {  	s3 =	ssub.s32 $0x0, s20;
	[sflag:s22] =	ssyncset.done $0x0  }
0xa0: {  	[sflag:s22] =	ssyncadd.s32 s3;
	_ =	sdelay $0x1  }
0xa1: {  	s23 =	simm.s32 $0x1B8B  }
0xa2: {  	_ =	swait.ge [sflag:s23], $0x1  }
0xa3: {  	[sflag:s23] =	ssyncset.done $0x0  }
0xa4: {  	s25 =	simm.s32 $0x1B8E;
	s24 =	sld [smem:$0x3FFE];
	[sflag:s23] =	ssyncadd.s32 $0xFFFFFFFF  }
0xa5: {  	s26 =	simm.s32 $execute0_lowered;
	[smem:$0x3FD2] =	sst s25  }
0xa6: {  	s4 =	sshll.u32 s26, $0x1;
	_ =	strace $0x80000046;
	[dreg:$0x1] =	wrdreg $0xFFFFFFFF  }
0xa7: {  	s28 =	simm.s32 $_size_execute0_lowered;
	s2 =	sadd.s32 s2, s4;
	[dreg:$0x0] =	wrdreg $0x0  }
0xa8: {  	s4 =	sshll.u32 s28, $0x1;
	[dreg:$0x2] =	wrdreg s2  }
0xa9: {  	[dreg:$0x3] =	wrdreg s4  }
0xaa: {  	[dreg:$0x4] =	wrdreg $0xC0  }
0xab: {  	_ =	task [dreg:s6], $0x5FFFF  }
0xac: {  	[dreg:$0x1] =	wrdreg $0xFFFFFFFF  }
0xad: {  	[dreg:$0x0] =	wrdreg $0x60  }
0xae: {  	[dreg:$0x2] =	wrdreg s24  }
0xaf: {  	[dreg:$0x3] =	wrdreg $0x9  }
0xb0: {  	_ =	task.clear_ibuf [dreg:s6], $0x4FFFF;
	_ =	strace $0x90000046  }
0xb1: {  	s29 =	simm.s32 $0x9;
	_ =	strace $0x80000048  }
0xb2: {  	_ =	swait.ge [sflag:s29], $0x1  }
0xb3: {  	[sflag:s29] =	ssyncadd.s32 $0xFFFFFFFF  }
0xb4: {  	_ =	strace $0x90000048  }
0xb5: {  	_ =	sfence  }
0xb6: {  	s30 =	sld [smem:$0x0];
	_ =	sdelay $0x2  }
0xb7: {  	s31 =	sshll.u32 s1, $0xD;
	s1 =	sshrl.u32 s1, $0x2  }
0xb8: {  	s3 =	sand.u32 $0x4000, s31;
	s1 =	sadd.s32 s1, s30  }
0xb9: {  	s0 =	sor.u32 s3, s0;
	s1 =	sshll.u32 s1, $0x11  }
0xba: {  	s0 =	sor.u32 s1, s0  }
0xbb: {  	s0 =	sadd.s32 $0x8F2B, s0  }
0xbc: {  	[sflag:s0] =	ssyncadd.remote.s32 $0x1  }
0xbd: {  	_ =	sfence.sel $0xFFFF  }
0xbe: {  	[dreg:$0x0] =	wrdreg $0xFFFFFFFF;
	(pc) =	sbr.abs _section_cstart, $3  }
0xbf: {  	[dreg:$0x1] =	wrdreg $0xFFFFFFFF  }
0xc0: {  	_ =	task.clear_ibuf [dreg:s6], $0x2FFFF;
	_ =	strace $0x9FFFFFFF  }
0xc1: {  	(tm) =	ssettm $0x7FFFFFFF  }
tec
execute0_lowered:
.L_overlay_start_1:
0x0: {  	(tag) =	ssettag $0x1  }
0x1: {  	s1 =	rddreg [dreg:$0x0];
	s2 =	simm.s32 $0x0;
	s0 =	srdreg.scid  }
0x2: {  	s5 =	stileid.u32;
	s13 =	simm.s32 $0x1580;
	s14 =	simm.s32 $0x1  }
0x3: {  	s15 =	simm.s32 $0x2B00;
	s16 =	simm.s32 $0x4080;
	s17 =	simm.s32 $0x5600  }
0x4: {  	s18 =	simm.s32 $0x6B80;
	s19 =	simm.s32 $0x2;
	s20 =	simm.s32 $0xAE00  }
0x5: {  	s21 =	simm.s32 $0xAE80;
	s22 =	simm.s32 $0xAD00;
	[smem:$0x7FF] =	sst s2  }
0x6: {  	s3 =	sand.u32 $0x1, s0;
	s25 =	sadd.s32 $0xD800, s1;
	s28 =	sadd.s32 $0xDAB0, s1  }
0x7: {  	s29 =	sadd.s32 $0xDD60, s1;
	_ =	strace $0x80000047;
	[dreg:$0x2] =	wrdreg s25  }
.Ltmp0:
0x8: {  	s26 =	ssub.s32 $0x2, s3;
	[dreg:$0x3] =	wrdreg s28;
	(pc) =	sbr.rel .LBB2_1-.Ltmp0, $4  }
0x9: {  	v0 =	vimm.f32 $0.0e+00;
	v1 =	vlaneseq.u32;
	s30 =	sadd.s32 $0xE010, s1;
	[dreg:$0x4] =	wrdreg s29;
	s4 =	sshrl.u32 s26, $0x1  }
0xa: {  	v2 =	vimm.s32 $0xF;
	vm0 =	vcmask $0x3F10;
	vm1 =	vcmask $0x3F0C;
	s31 =	sadd.s32 $0xE2C0, s1;
	[dreg:$0x5] =	wrdreg s30;
	s0 =	ssub.s32 s26, s4  }
0xb: {  	vm2 =	vcmask $0x3F08;
	vm3 =	vmmov $0x1;
	vm4 =	vmmov $0x1f;
	s6 =	sadd.s32 $0xE600, s1;
	[dreg:$0x6] =	wrdreg s31;
	s0 =	smax.u32 s0, $0x1  }
0xc: {  	s7 =	sshll.u32 s5, $0x1;
	v3 =	vmul.u32 $0xFFFFFFFF, v1;
	v4 =	vmul.u32 $0x20, v1;
	v5 =	vor.u32 $0xB0, v1;
	s4 =	simm.s32 $0x0;
	[dreg:$0x7] =	wrdreg s0  }
.LBB2_21:
0xd: {  	s4 =	rddreg [dreg:$0x8]  }
0xe: {  	s0 =	rddreg [dreg:$0x7];
	s4 =	sadd.s32 $0x1, s4  }
0xf: {  	p0 =	sne.s32 s4, s0  }
.Ltmp1:
0x10: {  	_ = 	snop;
	(pc) =	sbr.rel @!p0 .LBB2_22-.Ltmp1, $1  }
0x11: {  	_ =	sdelay $0x3  }
.LBB2_1:
0x12: {  	[dreg:$0x8] =	wrdreg s4  }
0x13: {  	s0 =	rddreg [dreg:$0x2]  }
0x14: {  	[tilespmem:s13], [sflag:$0x1] =	stream.linear.gather [hbm4b:s0+s2], $0x1580, $0x38;
	[tilespmem:$0x11D00] =	vst v63  }
0x15: {  	_ =	swait.ge [sflag:s14], $0x1580  }
0x16: {  	[sflag:s14] =	ssyncset.done $0x0  }
0x17: {  	s28 =	rddreg [dreg:$0x3];
	[sflag:s14] =	ssyncadd.s32 $0xFFFFEA80  }
0x18: {  	[tilespmem:s15], [sflag:$0x1] =	stream.linear.gather [hbm4b:s28+s2], $0x1580, $0x38;
	[tilespmem:$0x11D00] =	vst v63  }
0x19: {  	_ =	swait.ge [sflag:s14], $0x1580  }
0x1a: {  	[sflag:s14] =	ssyncset.done $0x0  }
0x1b: {  	s29 =	rddreg [dreg:$0x4];
	[sflag:s14] =	ssyncadd.s32 $0xFFFFEA80  }
0x1c: {  	[tilespmem:s16], [sflag:$0x1] =	stream.linear.gather [hbm4b:s29+s2], $0x1580, $0x38;
	[tilespmem:$0x11D00] =	vst v63  }
0x1d: {  	_ =	swait.ge [sflag:s14], $0x1580  }
0x1e: {  	[sflag:s14] =	ssyncset.done $0x0  }
0x1f: {  	s30 =	rddreg [dreg:$0x5];
	[sflag:s14] =	ssyncadd.s32 $0xFFFFEA80  }
0x20: {  	[tilespmem:s17], [sflag:$0x1] =	stream.linear.gather [hbm4b:s30+s2], $0x1580, $0x38;
	[tilespmem:$0x11D00] =	vst v63  }
0x21: {  	_ =	swait.ge [sflag:s14], $0x1580  }
0x22: {  	[sflag:s14] =	ssyncset.done $0x0  }
.Ltmp2:
0x23: {  	s31 =	rddreg [dreg:$0x6];
	[sflag:s14] =	ssyncadd.s32 $0xFFFFEA80;
	(pc) =	sbr.rel .LBB2_2-.Ltmp2, $4  }
0x24: {  	[tilespmem:s18], [sflag:$0x1] =	stream.linear.gather [hbm4b:s31+s2], $0x1580, $0x38;
	[tilespmem:$0x11D00] =	vst v63  }
0x25: {  	_ =	swait.ge [sflag:s14], $0x1580  }
0x26: {  	[sflag:s14] =	ssyncset.done $0x0  }
0x27: {  	s24 =	simm.s32 $0x0;
	[sflag:s14] =	ssyncadd.s32 $0xFFFFEA80  }
.LBB2_19:
0x28: {  	s0 =	smul.u32 $0x14, s25;
	_ =	sdelay $0x1  }
0x29: {  	s0 =	sadd.s32 s6, s0  }
0x2a: {  	[hbm4b:s0+s2] =	stream.linear.scatter [tilespmem:s22], [sflag:$0x1], $0xA0, $0x38;
	[tilespmem:$0x11D00] =	vst v63  }
0x2b: {  	_ =	swait.ge [sflag:s14], $0xA0  }
0x2c: {  	[sflag:s14] =	ssyncset.done $0x0  }
0x2d: {  	[sflag:s14] =	ssyncadd.s32 $0xFFFFFF60  }
.LBB2_20:
0x2e: {  	s24 =	sadd.s32 $0x1, s24  }
0x2f: {  	p0 =	sne.s32 s24, $0x3  }
.Ltmp3:
0x30: {  	_ = 	snop;
	(pc) =	sbr.rel @!p0 .LBB2_21-.Ltmp3, $1  }
0x31: {  	_ =	sdelay $0x3  }
.LBB2_2:
0x32: {  	s0 =	sshll.u32 s24, $0x5  }
0x33: {  	s0 =	sor.u32 s7, s0  }
0x34: {  	p0 =	sgt.u32 s0, $0x4F  }
.Ltmp4:
0x35: {  	_ = 	snop;
	(pc) =	sbr.rel @p0 .LBB2_20-.Ltmp4, $1  }
0x36: {  	_ =	sdelay $0x3  }
0x37: {  	s25 =	sor.u32 s3, s0  }
0x38: {  	s0 =	smul.u32 $0x2B0, s25;
	_ =	sdelay $0x1  }
0x39: {  	s26 =	simm.s32 $0x0;
	s0 =	sadd.s32 s1, s0  }
0x3a: {  	[tilespmem:s26], [sflag:$0x2] =	stream.linear.gather [hbm4b:s0+s26], $0x1580, $0x38;
	[tilespmem:$0x11D00] =	vst v63  }
0x3b: {  	_ =	swait.ge [sflag:s19], $0x1580  }
0x3c: {  	[sflag:s19] =	ssyncset.done $0x0  }
0x3d: {  	[sflag:s19] =	ssyncadd.s32 $0xFFFFEA80  }
0x3e: {  	[tilespmem:$0xAD00] =	vst v0  }
0x3f: {  	[tilespmem:$0xAD10] =	vst v0  }
0x40: {  	[tilespmem:$0xAD20] =	vst v0  }
0x41: {  	[tilespmem:$0xAD30] =	vst v0  }
0x42: {  	[tilespmem:$0xAD40] =	vst v0  }
0x43: {  	[tilespmem:$0xAD50] =	vst v0  }
0x44: {  	[tilespmem:$0xAD60] =	vst v0  }
0x45: {  	[tilespmem:$0xAD70] =	vst v0  }
0x46: {  	[tilespmem:$0xAD80] =	vst v0  }
0x47: {  	s23 =	simm.s32 $0x20;
	[tilespmem:$0xAD90] =	vst v0  }
0x48: {  	v6 =	vld [tilespmem:s23+$0xFFFFFFE0];
	_ =	sdelay $0x4  }
0x49: {  	vm5 =	vgt.f32 v6, $0.0e+00  }
0x4a: {  	[tilespmem:s26+$0x8100] =	vst.msk vm5, v6;
	v6 =	vor.u32 s26, v1;
	v7 =	vmpcnt.ones.xlane vm5  }
0x4b: {  	[tilespmem:s26+$0x9700] =	vst.msk vm5, v6  }
0x4c: {  	v6 =	vld [tilespmem:s23+$0xFFFFFFF0];
	(v2sf) =	vpush v7, $0x0;
	_ =	sdelay $0x4  }
0x4d: {  	vm5 =	vgt.f32 v6, $0.0e+00  }
0x4e: {  	v7 =	vmpcnt.ones.xlane vm5;
	_ =	sdelay $0x1  }
0x4f: {  	(v2sf) =	vpush v7, $0x0;
	_ =	sdelay $0x6  }
0x50: {  	s4 =	spop (v2sf)  }
0x51: {  	s5 =	simm.s32 $0x10;
	s4 =	sadd.s32 $0x0, s4  }
0x52: {  	[tilespmem:s4+$0x8100] =	vst.msk vm5, v6;
	v6 =	vor.u32 s5, v1  }
0x53: {  	[tilespmem:s4+$0x9700] =	vst.msk vm5, v6  }
0x54: {  	v6 =	vld [tilespmem:s23+$0x0];
	_ =	sdelay $0x3  }
0x55: {  	s28 =	spop (v2sf)  }
0x56: {  	s29 =	simm.s32 $0x20;
	s4 =	sadd.s32 s4, s28;
	vm5 =	vgt.f32 v6, $0.0e+00  }
0x57: {  	[tilespmem:s4+$0x8100] =	vst.msk vm5, v6;
	v6 =	vor.u32 s29, v1;
	v7 =	vmpcnt.ones.xlane vm5  }
0x58: {  	[tilespmem:s4+$0x9700] =	vst.msk vm5, v6  }
0x59: {  	v6 =	vld [tilespmem:s23+$0x10];
	(v2sf) =	vpush v7, $0x0;
	_ =	sdelay $0x4  }
0x5a: {  	vm5 =	vgt.f32 v6, $0.0e+00  }
0x5b: {  	v7 =	vmpcnt.ones.xlane vm5;
	_ =	sdelay $0x1  }
0x5c: {  	(v2sf) =	vpush v7, $0x0;
	_ =	sdelay $0x6  }
0x5d: {  	s30 =	spop (v2sf)  }
0x5e: {  	s31 =	simm.s32 $0x30;
	s5 =	sadd.s32 s4, s30  }
0x5f: {  	[tilespmem:s5+$0x8100] =	vst.msk vm5, v6;
	v6 =	vor.u32 s31, v1  }
0x60: {  	s0 =	simm.s32 $0x60;
	[tilespmem:s5+$0x9700] =	vst.msk vm5, v6  }
0x61: {  	v6 =	vld [tilespmem:s0+$0xFFFFFFE0];
	_ =	sdelay $0x3  }
0x62: {  	s4 =	simm.s32 $0x4;
	s8 =	spop (v2sf)  }
.LBB2_4:
0x63: {  	s4 =	sadd.s32 $0x4, s4;
	vm5 =	vgt.f32 v6, $0.0e+00;
	s5 =	sadd.s32 s5, s8;
	s26 =	sadd.s32 $0x40, s26  }
0x64: {  	p0 =	slt.u32 s4, $0x154;
	[tilespmem:s5+$0x8100] =	vst.msk vm5, v6;
	v6 =	vor.u32 s26, v1;
	v7 =	vmpcnt.ones.xlane vm5  }
0x65: {  	[tilespmem:s5+$0x9700] =	vst.msk vm5, v6  }
0x66: {  	v6 =	vld [tilespmem:s0+$0xFFFFFFF0];
	(v2sf) =	vpush v7, $0x0;
	_ =	sdelay $0x4  }
0x67: {  	vm5 =	vgt.f32 v6, $0.0e+00  }
0x68: {  	v7 =	vmpcnt.ones.xlane vm5;
	_ =	sdelay $0x1  }
0x69: {  	(v2sf) =	vpush v7, $0x0;
	_ =	sdelay $0x6  }
0x6a: {  	s8 =	spop (v2sf)  }
0x6b: {  	s5 =	sadd.s32 s5, s8;
	s8 =	sadd.s32 $0x10, s26  }
0x6c: {  	[tilespmem:s5+$0x8100] =	vst.msk vm5, v6;
	v6 =	vor.u32 s8, v1  }
0x6d: {  	[tilespmem:s5+$0x9700] =	vst.msk vm5, v6  }
0x6e: {  	v6 =	vld [tilespmem:s0+$0x0];
	_ =	sdelay $0x3  }
0x6f: {  	s8 =	spop (v2sf)  }
0x70: {  	s5 =	sadd.s32 s5, s8;
	s8 =	sadd.s32 $0x20, s26;
	vm5 =	vgt.f32 v6, $0.0e+00  }
0x71: {  	[tilespmem:s5+$0x8100] =	vst.msk vm5, v6;
	v6 =	vor.u32 s8, v1;
	v7 =	vmpcnt.ones.xlane vm5  }
0x72: {  	[tilespmem:s5+$0x9700] =	vst.msk vm5, v6  }
0x73: {  	v6 =	vld [tilespmem:s0+$0x10];
	(v2sf) =	vpush v7, $0x0;
	_ =	sdelay $0x4  }
0x74: {  	vm5 =	vgt.f32 v6, $0.0e+00  }
0x75: {  	v7 =	vmpcnt.ones.xlane vm5;
	_ =	sdelay $0x1  }
0x76: {  	(v2sf) =	vpush v7, $0x0;
	_ =	sdelay $0x6  }
0x77: {  	s8 =	spop (v2sf)  }
0x78: {  	s5 =	sadd.s32 s5, s8;
	s8 =	sadd.s32 $0x30, s26  }
0x79: {  	[tilespmem:s5+$0x8100] =	vst.msk vm5, v6;
	v6 =	vor.u32 s8, v1  }
0x7a: {  	s0 =	sadd.s32 $0x40, s0;
	[tilespmem:s5+$0x9700] =	vst.msk vm5, v6  }
.Ltmp5:
0x7b: {  	v6 =	vld [tilespmem:s0+$0xFFFFFFE0];
	(pc) =	sbr.rel @p0 .LBB2_4-.Ltmp5, $2  }
0x7c: {  	_ =	sdelay $0x2  }
0x7d: {  	s8 =	spop (v2sf)  }
0x7e: {  	vm5 =	vgt.f32 v6, $0.0e+00;
	s4 =	sadd.s32 s5, s8;
	s29 =	sadd.s32 $0x40, s26  }
0x7f: {  	[tilespmem:s4+$0x8100] =	vst.msk vm5, v6;
	v6 =	vor.u32 s29, v1;
	v7 =	vmpcnt.ones.xlane vm5  }
0x80: {  	[tilespmem:s4+$0x9700] =	vst.msk vm5, v6  }
0x81: {  	v6 =	vld [tilespmem:s0+$0xFFFFFFF0];
	(v2sf) =	vpush v7, $0x0;
	_ =	sdelay $0x4  }
0x82: {  	vm5 =	vgt.f32 v6, $0.0e+00  }
0x83: {  	v7 =	vmpcnt.ones.xlane vm5;
	_ =	sdelay $0x1  }
0x84: {  	(v2sf) =	vpush v7, $0x0;
	_ =	sdelay $0x6  }
0x85: {  	s30 =	spop (v2sf)  }
0x86: {  	s31 =	sadd.s32 $0x10, s29;
	s4 =	sadd.s32 s4, s30  }
0x87: {  	[tilespmem:s4+$0x8100] =	vst.msk vm5, v6;
	v6 =	vor.u32 s31, v1  }
0x88: {  	[tilespmem:s4+$0x9700] =	vst.msk vm5, v6  }
0x89: {  	v6 =	vld [tilespmem:s0+$0x0];
	_ =	sdelay $0x3  }
0x8a: {  	s9 =	spop (v2sf)  }
0x8b: {  	s10 =	sadd.s32 $0x20, s29;
	s4 =	sadd.s32 s4, s9;
	vm5 =	vgt.f32 v6, $0.0e+00  }
0x8c: {  	[tilespmem:s4+$0x8100] =	vst.msk vm5, v6;
	v6 =	vor.u32 s10, v1  }
0x8d: {  	[tilespmem:s4+$0x9700] =	vst.msk vm5, v6  }
0x8e: {  	v6 =	vld [tilespmem:s0+$0x10];
	_ =	sdelay $0x4  }
0x8f: {  	v7 =	vmpcnt.ones.xlane vm5;
	vm5 =	vgt.f32 v6, $0.0e+00  }
0x90: {  	v8 =	vmpcnt.ones.xlane vm5  }
0x91: {  	(v2sf) =	vpush v7, $0x0  }
0x92: {  	(v2sf) =	vpush v8, $0x0;
	_ =	sdelay $0xd  }
0x93: {  	s11 =	spop (v2sf)  }
0x94: {  	s0 =	sadd.s32 s4, s11;
	s12 =	spop (v2sf)  }
0x95: {  	s4 =	sadd.s32 s0, s12  }
0x96: {  	v7 =	vadd.s32 s4, v1;
	s23 =	sadd.s32 $0x10, s4;
	s4 =	sadd.s32 $0xF, s4  }
0x97: {  	s5 =	sadd.s32 $0x30, s29;
	s26 =	sand.u32 $0xF, s4  }
0x98: {  	s29 =	sshra.s32 s4, $0x1F;
	p1 =	slt.s32 s4, $0x1;
	p0 =	sne.s32 s26, $0x0  }
0x99: {  	s30 =	sshrl.u32 s29, $0x1C;
	p0 =	por !p1, !p0  }
0x9a: {  	[tilespmem:s0+$0x8100] =	vst.msk vm5, v6;
	v6 =	vor.u32 s5, v1;
	s31 =	sadd.s32 s30, s4;
	s4 =	simm.s32 $0x1;
	p0 =	por !p0, !p0  }
0x9b: {  	[tilespmem:s0+$0x9700] =	vst.msk vm5, v6;
	v8 =	vadd.s32 s23, v1;
	s0 =	sshra.s32 s31, $0x4;
	s4 =	simm.s32 @!p0 $0x0  }
0x9c: {  	s26 =	ssub.s32 s0, s4  }
0x9d: {  	p0 =	slt.s32 s26, $0x1  }
.Ltmp6:
0x9e: {  	s28 =	simm.s32 $0x8100;
	(pc) =	sbr.rel @p0 .LBB2_13-.Ltmp6, $4  }
0x9f: {  	[tilespmem:v7+s28+$0x0] =	vst.idx.msk $0xffff, v0  }
0xa0: {  	s9 =	simm.s32 $0x9700;
	v6 =	vimm.s32 $0x0;
	[tilespmem:v8+s28+$0x0] =	vst.idx.msk $0xffff, v0  }
0xa1: {  	[tilespmem:v7+s9+$0x0] =	vst.idx.msk $0xffff, v6  }
0xa2: {  	v7 =	vimm.f32 $-1.000000000e+00;
	[tilespmem:v8+s9+$0x0] =	vst.idx.msk $0xffff, v6  }
0xa3: {  	p2 =	sne.s32 s26, $0x1  }
.Ltmp7:
0xa4: {  	_ = 	snop;
	(pc) =	sbr.rel @!p2 .LBB2_7-.Ltmp7, $4  }
0xa5: {  	_ = 	snop  }
0xa6: {  	s8 =	simm.s32 $0x0;
	s30 =	simm.s32 $0xAF00  }
0xa7: {  	s0 =	simm.s32 $0xC500;
	s5 =	simm.s32 $0xDB00;
	s4 =	simm.s32 $0xF100  }
0xa8: {  	s31 =	simm.s32 $0x10700;
	s29 =	simm.s32 $0x1;
	v8 =	vld [tilespmem:s9+$0x0];
	p1 =	por $0x0, $0x0  }
0xa9: {  	_ =	sdelay $0x7  }
0xaa: {  	v9 =	vld.idx.msk [tilespmem:v8+s13+$0x0], $0xffff;
	_ =	sdelay $0x4  }
0xab: {  	[tilespmem:s30+$0x0] =	vst v9  }
0xac: {  	v9 =	vld.idx.msk [tilespmem:v8+s15+$0x0], $0xffff;
	_ =	sdelay $0x4  }
0xad: {  	[tilespmem:s0+$0x0] =	vst v9  }
0xae: {  	v9 =	vld.idx.msk [tilespmem:v8+s16+$0x0], $0xffff;
	_ =	sdelay $0x4  }
0xaf: {  	[tilespmem:s5+$0x0] =	vst v9  }
0xb0: {  	v9 =	vld.idx.msk [tilespmem:v8+s17+$0x0], $0xffff;
	_ =	sdelay $0x4  }
0xb1: {  	[tilespmem:s4+$0x0] =	vst v9  }
0xb2: {  	v8 =	vld.idx.msk [tilespmem:v8+s18+$0x0], $0xffff;
	_ =	sdelay $0x4  }
0xb3: {  	p2 =	sne.s32 s26, $0x2;
	s12 =	simm.s32 $0x9710;
	[tilespmem:s31+$0x0] =	vst v8  }
.Ltmp8:
0xb4: {  	v8 =	vld [tilespmem:s12+$0x0];
	(pc) =	sbr.rel @!p2 .LBB2_9-.Ltmp8, $4  }
0xb5: {  	v11 =	vld [tilespmem:s28+$0x0]  }
0xb6: {  	s11 =	simm.s32 $0x2;
	p1 =	por $0x1, $0x1  }
0xb7: {  	s9 =	simm.s32 $0xAF00;
	s10 =	simm.s32 $0xC500;
	s5 =	simm.s32 $0xDB10  }
0xb8: {  	v10 =	vimm.s32 $0x0;
	s4 =	simm.s32 $0xF110;
	v9 =	vimm.f32 $-1.000000000e+00;
	s31 =	simm.s32 $0x10710;
	s28 =	simm.s32 $0x8110  }
.LBB2_10:
0xb9: {  	s9 =	sadd.s32 $0x10, s9  }
0xba: {  	vm5 =	vgt.f32 v11, v9;
	s10 =	sadd.s32 $0x10, s10;
	s23 =	smov.u32 s11;
	s11 =	sadd.s32 $0x1, s11  }
0xbb: {  	p2 =	sne.s32 s26, s11;
	v9 =	vsel vm5, v11, v9;
	v10 =	vsel vm5, s8, v10;
	s8 =	smov.u32 s29;
	s29 =	smov.u32 s23  }
0xbc: {  	v11 =	vld.idx.msk [tilespmem:v8+s13+$0x0], $0xffff;
	_ =	sdelay $0x5  }
0xbd: {  	[tilespmem:s9+$0x0] =	vst v11  }
0xbe: {  	v11 =	vld.idx.msk [tilespmem:v8+s15+$0x0], $0xffff;
	_ =	sdelay $0x5  }
0xbf: {  	[tilespmem:s10+$0x0] =	vst v11  }
0xc0: {  	v11 =	vld.idx.msk [tilespmem:v8+s16+$0x0], $0xffff;
	_ =	sdelay $0x5  }
0xc1: {  	[tilespmem:s5+$0x0] =	vst v11  }
0xc2: {  	v11 =	vld.idx.msk [tilespmem:v8+s17+$0x0], $0xffff;
	_ =	sdelay $0x5  }
0xc3: {  	[tilespmem:s4+$0x0] =	vst v11  }
0xc4: {  	v8 =	vld.idx.msk [tilespmem:v8+s18+$0x0], $0xffff;
	_ =	sdelay $0x5  }
0xc5: {  	s12 =	sadd.s32 $0x10, s12;
	[tilespmem:s31+$0x0] =	vst v8  }
0xc6: {  	v8 =	vld [tilespmem:s12+$0x0]  }
.Ltmp9:
0xc7: {  	v11 =	vld [tilespmem:s28+$0x0];
	(pc) =	sbr.rel @p2 .LBB2_10-.Ltmp9, $3  }
0xc8: {  	_ =	sdelay $0x1  }
0xc9: {  	s28 =	sadd.s32 $0x10, s28  }
0xca: {  	s5 =	sadd.s32 $0x10, s5;
	s4 =	sadd.s32 $0x10, s4;
	s31 =	sadd.s32 $0x10, s31  }
0xcb: {  	s11 =	smov.u32 s8;
	s8 =	smov.u32 s29  }
.LBB2_12:
0xcc: {  	_ =	sdelay $0x3  }
0xcd: {  	v12 =	vld.idx.msk [tilespmem:v8+s13+$0x0], $0xffff;
	_ =	sdelay $0x2  }
0xce: {  	s9 =	sadd.s32 @p1 $0x10, s9  }
0xcf: {  	s30 =	smov.u32 @p1 s9  }
0xd0: {  	[tilespmem:s30+$0x0] =	vst v12  }
0xd1: {  	v12 =	vld.idx.msk [tilespmem:v8+s15+$0x0], $0xffff;
	_ =	sdelay $0x2  }
0xd2: {  	s9 =	sadd.s32 @p1 $0x10, s10  }
0xd3: {  	s0 =	smov.u32 @p1 s9  }
0xd4: {  	[tilespmem:s0+$0x0] =	vst v12  }
0xd5: {  	v12 =	vld.idx.msk [tilespmem:v8+s16+$0x0], $0xffff;
	_ =	sdelay $0x4  }
0xd6: {  	[tilespmem:s5+$0x0] =	vst v12  }
0xd7: {  	v12 =	vld.idx.msk [tilespmem:v8+s17+$0x0], $0xffff;
	_ =	sdelay $0x4  }
0xd8: {  	[tilespmem:s4+$0x0] =	vst v12  }
0xd9: {  	v8 =	vld.idx.msk [tilespmem:v8+s18+$0x0], $0xffff;
	_ =	sdelay $0x4  }
0xda: {  	[tilespmem:s31+$0x0] =	vst v8  }
0xdb: {  	v8 =	vld [tilespmem:s28+$0x0];
	_ =	sdelay $0x1  }
0xdc: {  	vm5 =	vgt.f32 @p1 v11, v9  }
0xdd: {  	v9 =	vsel @p1 vm5, v11, v9  }
0xde: {  	v10 =	vsel @p1 vm5, s11, v10;
	v7 =	vpsel p1, v9, v7  }
0xdf: {  	v6 =	vpsel p1, v10, v6;
	vm5 =	vgt.f32 v8, v7  }
0xe0: {  	v7 =	vsel vm5, v8, v7;
	v6 =	vsel vm5, s8, v6  }
.LBB2_13:
.Ltmp10:
0xe1: {  	(pc) =	sbr.rel .LBB2_14-.Ltmp10, $2  }
0xe2: {  	_ =	sdelay $0x2  }
0xe3: {  	s28 =	simm.s32 $0x0;
	s29 =	simm.s32 $0x0  }
.LBB2_17:
0xe4: {  	v7 =	vsel vm6, v14, v7;
	v6 =	vsel vm6, s10, v6  }
.LBB2_18:
0xe5: {  	s29 =	sadd.s32 $0x1, s29  }
0xe6: {  	p1 =	sne.s32 s29, $0x14  }
.Ltmp11:
0xe7: {  	_ = 	snop;
	(pc) =	sbr.rel @!p1 .LBB2_19-.Ltmp11, $1  }
0xe8: {  	_ =	sdelay $0x3  }
.LBB2_14:
0xe9: {  	(xrf0) =	vmax.scan.msk.f32 $0xffff, v7;
	_ =	sdelay $0x5  }
0xea: {  	v8, _, _ =	vpop (xrf0)  }
0xeb: {  	[tilespmem:$0xAE00] =	vst v8  }
0xec: {  	v14 =	vld.idx.msk [tilespmem:v2+s20+$0x0], $0xffff;
	_ =	sdelay $0x2  }
0xed: {  	v6 =	vshll.u32 v6, $0x4  }
0xee: {  	v6 =	vsub.s32 v3, v6  }
0xef: {  	v6 =	vxor.u32 $0x80000000, v6;
	vm5 =	veq.f32 v7, v14  }
0xf0: {  	v6 =	vnsel vm5, $0x40000000, v6  }
0xf1: {  	(xrf0) =	vmax.scan.msk.u32 $0xffff, v6;
	_ =	sdelay $0x5  }
0xf2: {  	v6, _, _ =	vpop (xrf0)  }
0xf3: {  	v6 =	vxor.u32 $0x80000000, v6  }
0xf4: {  	[tilespmem:$0xAE80] =	vst v6  }
0xf5: {  	v6 =	vld.idx.msk [tilespmem:v2+s21+$0x0], $0xffff;
	_ =	sdelay $0x4  }
0xf6: {  	v8 =	vsub.s32 $0x0, v6;
	_ =	sdelay $0x3  }
0xf7: {  	s30 =	simm.s32 $0xDB00  }
0xf8: {  	s31 =	simm.s32 $0xF100;
	v9 =	vld.idx.msk [tilespmem:v8+s30+$0x0], $0xffff  }
0xf9: {  	s0 =	simm.s32 $0xC500;
	v10 =	vld.idx.msk [tilespmem:v8+s31+$0x0], $0xffff  }
0xfa: {  	s8 =	simm.s32 $0xAF00;
	v11 =	vld.idx.msk [tilespmem:v8+s0+$0x0], $0xffff  }
0xfb: {  	vm5 =	vgt.f32 v14, $0.0e+00;
	v12 =	vld.idx.msk [tilespmem:v8+s8+$0x0], $0xffff  }
0xfc: {  	vm6 =	vmand vm5, vm4;
	v6 =	vor.u32 s29, v4  }
0xfd: {  	v7 =	vsel vm6, v6, v5  }
.Ltmp12:
0xfe: {  	v6 =	vsel vm0, v10, v9;
	(pc) =	sbr.rel @p0 .LBB2_18-.Ltmp12, $4  }
0xff: {  	v6 =	vsel vm1, v6, v11  }
0x100: {  	v6 =	vsel vm2, v6, v12  }
0x101: {  	s4 =	simm.s32 $0x10700;
	v14 =	vsel vm3, v14, v6  }
0x102: {  	s5 =	simm.s32 $0x8100;
	v13 =	vld.idx.msk [tilespmem:v8+s4+$0x0], $0xffff;
	v6 =	vimm.s32 $0x0;
	[tilespmem:v7+s22+$0x0] =	vst.idx.msk $0xffff, v14;
	v7 =	vimm.f32 $-1.000000000e+00  }
0x103: {  	v14 =	vld [tilespmem:s8+$0x0]  }
0x104: {  	v15 =	vld [tilespmem:s30+$0x0]  }
0x105: {  	v16 =	vld [tilespmem:s0+$0x0]  }
0x106: {  	v17 =	vld [tilespmem:s31+$0x0];
	_ =	sdelay $0x3  }
0x107: {  	v18 =	vld [tilespmem:s4+$0x0];
	v14 =	vmax.f32 v12, v14  }
0x108: {  	v16 =	vmax.f32 v11, v16;
	v15 =	vmin.f32 v9, v15;
	v17 =	vmin.f32 v10, v17  }
0x109: {  	v14 =	vsub.f32 v15, v14;
	v15 =	vsub.f32 v17, v16;
	_ =	sdelay $0x1  }
0x10a: {  	v14 =	vmax.f32 v14, $0.0e+00;
	v15 =	vmax.f32 v15, $0.0e+00  }
0x10b: {  	v14 =	vmul.f32 v15, v14;
	v15 =	vadd.f32 v18, v13;
	_ =	sdelay $0x1  }
0x10c: {  	v15 =	vsub.f32 v15, v14;
	_ =	sdelay $0x1  }
0x10d: {  	v15 =	vadd.f32 $9.999999710e-10, v15;
	_ =	sdelay $0x1  }
0x10e: {  	(erf) = vrcp.f32 v15;
	_ =	sdelay $0x8  }
0x10f: {  	v15 =	vpop (erf)  }
0x110: {  	v63 =	vld [tilespmem:s5+$0x0];
	v14 =	vmul.f32 v15, v14  }
0x111: {  	p1 =	sne.s32 s26, $0x1;
	v15 =	vor.u32 s28, v1  }
.Ltmp13:
0x112: {  	vm7 =	veq.s32 v15, v8;
	vm6 =	vgt.f32 v14, $5.000000000e-01;
	(pc) =	sbr.rel @!p1 .LBB2_17-.Ltmp13, $4  }
0x113: {  	vm6 =	vmor vm7, vm6  }
0x114: {  	vm6 =	vmand vm5, vm6  }
0x115: {  	s8 =	simm.s32 $0x1;
	v14 =	vsel vm6, $0x0, v63  }
0x116: {  	s9 =	simm.s32 $0xAF10;
	s10 =	simm.s32 $0x0;
	s11 =	simm.s32 $0x0;
	[tilespmem:s5+$0x0] =	vst v14;
	vm6 =	vgt.f32 v14, v7  }
.LBB2_16:
0x117: {  	v15 =	vld [tilespmem:s9+$0x0];
	v7 =	vsel vm6, v14, v7;
	v6 =	vsel vm6, s10, v6;
	s30 =	sadd.s32 $0x10, s30;
	s10 =	smov.u32 s8  }
0x118: {  	s0 =	sadd.s32 $0x10, s0;
	v14 =	vld [tilespmem:s30+$0x0]  }
0x119: {  	s8 =	sadd.s32 $0x1, s8;
	s31 =	sadd.s32 $0x10, s31;
	v16 =	vld [tilespmem:s0+$0x0]  }
0x11a: {  	p1 =	sne.s32 s26, s8;
	v17 =	vld [tilespmem:s31+$0x0];
	_ =	sdelay $0x2  }
0x11b: {  	s4 =	sadd.s32 $0x10, s4  }
0x11c: {  	v15 =	vmax.f32 v12, v15;
	v18 =	vld [tilespmem:s4+$0x0]  }
0x11d: {  	v14 =	vmin.f32 v9, v14;
	v16 =	vmax.f32 v11, v16;
	v17 =	vmin.f32 v10, v17  }
0x11e: {  	v14 =	vsub.f32 v14, v15;
	v15 =	vsub.f32 v17, v16;
	_ =	sdelay $0x1  }
0x11f: {  	v14 =	vmax.f32 v14, $0.0e+00;
	v15 =	vmax.f32 v15, $0.0e+00  }
0x120: {  	v14 =	vmul.f32 v15, v14;
	v15 =	vadd.f32 v18, v13;
	_ =	sdelay $0x1  }
0x121: {  	v15 =	vsub.f32 v15, v14;
	_ =	sdelay $0x1  }
0x122: {  	v15 =	vadd.f32 $9.999999710e-10, v15;
	_ =	sdelay $0x1  }
0x123: {  	(erf) = vrcp.f32 v15;
	_ =	sdelay $0x8  }
0x124: {  	s5 =	sadd.s32 $0x10, s5;
	v15 =	vpop (erf)  }
0x125: {  	s11 =	sadd.s32 $0x10, s11;
	v16 =	vld [tilespmem:s5+$0x0];
	v14 =	vmul.f32 v15, v14  }
0x126: {  	v15 =	vor.u32 s11, v1  }
.Ltmp14:
0x127: {  	vm7 =	veq.s32 v15, v8;
	vm6 =	vgt.f32 v14, $5.000000000e-01;
	(pc) =	sbr.rel @p1 .LBB2_16-.Ltmp14, $4  }
0x128: {  	vm6 =	vmor vm7, vm6  }
0x129: {  	vm6 =	vmand vm5, vm6  }
0x12a: {  	v14 =	vsel vm6, $0x0, v16  }
0x12b: {  	s9 =	sadd.s32 $0x10, s9;
	[tilespmem:s5+$0x0] =	vst v14;
	vm6 =	vgt.f32 v14, v7  }
.Ltmp15:
0x12c: {  	_ = 	snop;
	(pc) =	sbr.rel .LBB2_17-.Ltmp15, $1  }
0x12d: {  	_ =	sdelay $0x3  }
.LBB2_7:
.Ltmp16:
0x12e: {  	(pc) =	sbr.rel .LBB2_12-.Ltmp16, $2  }
0x12f: {  	_ =	sdelay $0x2  }
0x130: {  	v9 =	vimm.f32 $-1.000000000e+00;
	s9 =	simm.s32 $0xAF00;
	s10 =	simm.s32 $0xC500;
	v10 =	vimm.s32 $0x0  }
.LBB2_9:
.Ltmp17:
0x131: {  	(pc) =	sbr.rel .LBB2_12-.Ltmp17, $3  }
0x132: {  	_ =	sdelay $0x1  }
0x133: {  	s9 =	simm.s32 $0xAF00  }
0x134: {  	v9 =	vimm.f32 $-1.000000000e+00;
	s10 =	simm.s32 $0xC500;
	s11 =	simm.s32 $0x0;
	v10 =	vimm.s32 $0x0;
	s8 =	simm.s32 $0x1  }
.LBB2_22:
0x135: {  	_ =	sfence.sel $0x180000  }
0x136: {  	[bflag:$0x0] =	sbarrier.arrive $0xFFFF  }
0x137: {  	_ =	strace $0x90000047  }
0x138: {  	s0 =	stileid.u32;
	[bflag:$0x2] =	sbarrier.arrive $0xFFFF  }
0x139: {  	p0 =	sne.s32 s0, $0x0;
	s0 =	rddreg [dreg:$0x1]  }
0x13a: {  	s0 =	sadd.s32 @!p0 $0x100000, s0  }
0x13b: {  	[sflag:s0] =	ssyncadd.tile.s32 @!p0 $0x1;
	_ =	shalt  }
.Lfunc_end2:
_tile_overlayer_lowered:
.L_overlay_start_2:
0x13c: {  	(tag) =	ssettag $0x2  }
0x13d: {  	s0 =	rddreg [dreg:$0x0];
	s2 =	stileid.u32  }
0x13e: {  	s1 =	rddreg [dreg:$0x1];
	p0 =	sne.s32 s2, $0x0  }
0x13f: {  	s3 =	rddreg [dreg:$0x2];
	[bflag:$0x3] =	sbarrier.arrive $0xFFFF;
	s2 =	simm.s32 @!p0 $0x1C01  }
0x140: {  	[timem:s3], [sflag:s2] =	dma.local @!p0 [hbm:s0], s1  }
0x141: {  	s0 =	simm.s32 @!p0 $0x1  }
0x142: {  	_ =	swait.ge @!p0 [sflag:s0], s1  }
0x143: {  	s1 =	ssub.s32 @!p0 $0x0, s1;
	[sflag:s0] =	ssyncset.done @!p0 $0x0  }
0x144: {  	[sflag:s0] =	ssyncadd.s32 @!p0 s1  }
0x145: {  	[bflag:$0x3] =	sbarrier.arrive $0xFFFF  }
0x146: {  	_ =	shalt  }

</sc_bundles>
